<compile_context>
chip_gen: v7x
topology: tpu7x:2x2x1
jax: 0.10.2.dev20260603
libtpu: 0.0.44.dev20260713+nightly
codegen_flags: <defaults>
</compile_context>

<pallas_src>
import functools

import jax
import jax.numpy as jnp
from jax import lax
from jax.experimental import pallas as pl
from jax.experimental.pallas import tpu as pltpu
from jax.experimental.pallas import tpu_sc as plsc

_B = 16384
_V = 1000
_D = 128

_NC = 2
_NS = 16
_NW = _NC * _NS
_BPW = _B // _NW
_CH = 64
_NCH = _BPW // _CH
_TROWS = 64
_NHBM = 1

_mesh = plsc.VectorSubcoreMesh(core_axis_name="c", subcore_axis_name="s")


@functools.partial(
    pl.kernel,
    out_type=jax.ShapeDtypeStruct((_B, _D), jnp.float32),
    mesh=_mesh,
    scratch_types=[
        pltpu.VMEM((_BPW,), jnp.int32),
        pltpu.VMEM((_BPW, _D), jnp.float32),
        pltpu.VMEM_SHARED((_V, _D), jnp.float32),
        pltpu.SemaphoreType.DMA((_NCH,)),
        pltpu.SemaphoreType.DMA,
        pltpu.SemaphoreType.DMA,
    ],
)
def _gather_kernel(x_hbm, table_hbm, out_hbm, idx_v, rows_v, table_s, gsem, osem, tsem):
    sid = lax.axis_index("s")
    wid = sid * _NC + lax.axis_index("c")
    base = wid * _BPW

    toff = lax.min(sid * _TROWS, _V - _TROWS)
    tcopy = pltpu.async_copy(
        table_hbm.at[pl.ds(toff, _TROWS)], table_s.at[pl.ds(toff, _TROWS)], tsem
    )
    pltpu.sync_copy(x_hbm.at[pl.ds(base, _BPW)], idx_v)
    gathers = [
        pltpu.async_copy(
            table_hbm.at[idx_v.at[pl.ds(j * _CH, _CH)]],
            rows_v.at[pl.ds(j * _CH, _CH)],
            gsem.at[j],
        )
        for j in range(_NHBM)
    ]
    tcopy.wait()
    plsc.subcore_barrier()

    for j in range(_NHBM, _NCH):
        gathers.append(
            pltpu.async_copy(
                table_s.at[idx_v.at[pl.ds(j * _CH, _CH)]],
                rows_v.at[pl.ds(j * _CH, _CH)],
                gsem.at[j],
            )
        )
    outs = []
    for j in range(_NCH):
        gathers[j].wait()
        outs.append(
            pltpu.async_copy(
                rows_v.at[pl.ds(j * _CH, _CH)],
                out_hbm.at[pl.ds(base + j * _CH, _CH)],
                osem,
            )
        )
    for c in outs:
        c.wait()


def kernel(x, table):
    return _gather_kernel(x.astype(jnp.int32), table)

# --- scband reference (transcript-rebuilt; emitter-appended) ---
"""Pipeline reference for scband-time-embedding-52055003627770 (READ-ONLY COPY).

The authoritative reference and input builder live on the scoring server;
editing this copy changes nothing except your own understanding.
"""

import jax, jax.numpy as jnp
import numpy as np

N_TIMESTEPS = 1000
DIM = 128
BATCH = 16384


def _sinusoidal_embedding(n_timesteps, dim):
    pos = jnp.arange(n_timesteps, dtype=jnp.float32)[:, None]
    i = jnp.arange(dim // 2, dtype=jnp.float32)[None, :]
    angle = pos / (10000.0 ** (2.0 * i / dim))
    pe = jnp.zeros((n_timesteps, dim), dtype=jnp.float32)
    pe = pe.at[:, 0::2].set(jnp.sin(angle))
    pe = pe.at[:, 1::2].set(jnp.cos(angle))
    return pe


def setup_inputs(seed: int = 0) -> dict:
    key = jax.random.key(seed)
    x = jax.random.randint(key, (BATCH,), 0, N_TIMESTEPS)
    table = _sinusoidal_embedding(N_TIMESTEPS, DIM)
    return {"x": x, "table": table}


def reference(x, table):
    # nn.Embedding lookup: gather rows of the (sinusoidal) embedding table
    return jnp.take(table, x, axis=0)

if __name__ == "__main__":
    import jax
    _d = setup_inputs()
    print(jax.jit(kernel)(*tuple(_d.values())))

</pallas_src>

<mosaic_0001>
#map = affine_map<(d0, d1) -> (0)>
#map1 = affine_map<(d0, d1) -> (0, 0)>
module attributes {stable_mosaic.version = 14 : i64} {
  func.func @_gather_kernel(%arg0: i32, %arg1: i32, %arg2: memref<16384xi32, #tpu.memory_space<hbm>>, %arg3: memref<1000x128xf32, #tpu.memory_space<hbm>>, %arg4: memref<16384x128xf32, #tpu.memory_space<hbm>>, %arg5: memref<512xi32, #tpu.memory_space<vmem>>, %arg6: memref<512x128xf32, #tpu.memory_space<vmem>>, %arg7: memref<1000x128xf32, #tpu.memory_space<vmem_shared>>, %arg8: memref<8x!tpu.dma_semaphore, #tpu.memory_space<semaphore_mem>>, %arg9: memref<!tpu.dma_semaphore, #tpu.memory_space<semaphore_mem>>, %arg10: memref<!tpu.dma_semaphore, #tpu.memory_space<semaphore_mem>>) attributes {dimension_semantics = [#tpu.dimension_semantics<core_parallel>, #tpu.dimension_semantics<subcore_parallel>], iteration_bounds = array<i64: 2, 16>, scalar_prefetch = 0 : i64, scratch_operands = 6 : i64, tpu.core_type = #tpu.core_type<sc_vector_subcore>, window_params = [{transform_indices = #map}, {transform_indices = #map1}, {transform_indices = #map1}]} {
    %mul3A = arith.constant 2 : i32
    %mul3A_0 = arith.muli %arg1, %mul3A : i32
    %add3A = arith.addi %mul3A_0, %arg0 : i32
    %mul3A_1 = arith.constant 512 : i32
    %mul3A_2 = arith.muli %add3A, %mul3A_1 : i32
    %mul3A_3 = arith.constant 64 : i32
    %mul3A_4 = arith.muli %arg1, %mul3A_3 : i32
    %min3A = arith.constant 936 : i32
    %min3A_5 = arith.minsi %mul3A_4, %min3A : i32
    %dma_start3A = arith.constant 0 : i32
    %dma_start3A_6 = tpu.memref_slice %arg7[%min3A_5, %dma_start3A] : memref<1000x128xf32, #tpu.memory_space<vmem_shared>> -> memref<64x128xf32, #tpu.memory_space<vmem_shared>>
    %dma_start3A_7 = arith.constant 0 : i32
    %dma_start3A_8 = tpu.memref_slice %arg3[%min3A_5, %dma_start3A_7] : memref<1000x128xf32, #tpu.memory_space<hbm>> -> memref<64x128xf32, #tpu.memory_space<hbm>>
    tpu.enqueue_dma source(%dma_start3A_8 : memref<64x128xf32, #tpu.memory_space<hbm>>) target(%dma_start3A_6 : memref<64x128xf32, #tpu.memory_space<vmem_shared>>) target_semaphore(%arg10 : memref<!tpu.dma_semaphore, #tpu.memory_space<semaphore_mem>>)
    "tpu.region"() ({
      %run_scoped3A = tpu.sem_alloc : memref<!tpu.dma_semaphore, #tpu.memory_space<semaphore_mem>>
      %dma_start3A_364 = tpu.memref_slice %arg2[%mul3A_2] : memref<16384xi32, #tpu.memory_space<hbm>> -> memref<512xi32, #tpu.memory_space<hbm>>
      %dma_start3A_365 = tpu.memref_slice %arg2[%mul3A_2] : memref<16384xi32, #tpu.memory_space<hbm>> -> memref<512xi32, #tpu.memory_space<hbm>>
      tpu.enqueue_dma source(%dma_start3A_365 : memref<512xi32, #tpu.memory_space<hbm>>) target(%arg5 : memref<512xi32, #tpu.memory_space<vmem>>) target_semaphore(%run_scoped3A : memref<!tpu.dma_semaphore, #tpu.memory_space<semaphore_mem>>)
      %dma_wait3A_366 = tpu.memref_slice %arg2[%mul3A_2] : memref<16384xi32, #tpu.memory_space<hbm>> -> memref<512xi32, #tpu.memory_space<hbm>>
      %dma_wait3A_367 = tpu.memref_slice %arg2[%mul3A_2] : memref<16384xi32, #tpu.memory_space<hbm>> -> memref<512xi32, #tpu.memory_space<hbm>>
      tpu.wait_dma2 semaphore(%run_scoped3A : memref<!tpu.dma_semaphore, #tpu.memory_space<semaphore_mem>>) src(%dma_wait3A_367 : memref<512xi32, #tpu.memory_space<hbm>>) dst(%arg5 : memref<512xi32, #tpu.memory_space<vmem>>)
      tpu.yield
    }) : () -> ()
    %dma_start3A_9 = arith.constant 0 : i32
    %dma_start3A_10 = arith.constant 0 : i32
    %dma_start3A_11 = arith.constant 0 : i32
    %dma_start3A_12 = tpu.memref_slice %arg6[%dma_start3A_10, %dma_start3A_11] : memref<512x128xf32, #tpu.memory_space<vmem>> -> memref<64x128xf32, #tpu.memory_space<vmem>>
    %dma_start3A_13 = arith.constant 0 : i32
    %dma_start3A_14 = tpu.memref_slice %arg5[%dma_start3A_13] : memref<512xi32, #tpu.memory_space<vmem>> -> memref<64xi32, #tpu.memory_space<vmem>>
    %dma_start3A_15 = arith.constant 0 : i32
    %dma_start3A_16 = arith.constant 0 : i32
    %dma_start3A_17 = tpu.memref_slice %arg3[%dma_start3A_15, %dma_start3A_16] : memref<1000x128xf32, #tpu.memory_space<hbm>> -> memref<1000x128xf32, #tpu.memory_space<hbm>>
    %dma_start3A_18 = tpu.memref_slice %arg8[%dma_start3A_9] : memref<8x!tpu.dma_semaphore, #tpu.memory_space<semaphore_mem>> -> memref<1x!tpu.dma_semaphore, #tpu.memory_space<semaphore_mem>>
    %dma_start3A_19 = tpu.memref_squeeze %dma_start3A_18 : memref<1x!tpu.dma_semaphore, #tpu.memory_space<semaphore_mem>> -> memref<!tpu.dma_semaphore, #tpu.memory_space<semaphore_mem>>
    tpu.enqueue_indirect_dma source(%dma_start3A_17 : memref<1000x128xf32, #tpu.memory_space<hbm>>) target(%dma_start3A_12 : memref<64x128xf32, #tpu.memory_space<vmem>>) offsets(%dma_start3A_14 : memref<64xi32, #tpu.memory_space<vmem>>) semaphore(%dma_start3A_19 : memref<!tpu.dma_semaphore, #tpu.memory_space<semaphore_mem>>)
    %dma_wait3A = arith.constant 0 : i32
    %dma_wait3A_20 = tpu.memref_slice %arg7[%min3A_5, %dma_wait3A] : memref<1000x128xf32, #tpu.memory_space<vmem_shared>> -> memref<64x128xf32, #tpu.memory_space<vmem_shared>>
    %dma_wait3A_21 = arith.constant 0 : i32
    %dma_wait3A_22 = tpu.memref_slice %arg3[%min3A_5, %dma_wait3A_21] : memref<1000x128xf32, #tpu.memory_space<hbm>> -> memref<64x128xf32, #tpu.memory_space<hbm>>
    tpu.wait_dma2 semaphore(%arg10 : memref<!tpu.dma_semaphore, #tpu.memory_space<semaphore_mem>>) src(%dma_wait3A_22 : memref<64x128xf32, #tpu.memory_space<hbm>>) dst(%dma_wait3A_20 : memref<64x128xf32, #tpu.memory_space<vmem_shared>>)
    %barrier3A = arith.constant 0 : index
    tpu.barrier barrier_id(%barrier3A)
    %dma_start3A_23 = arith.constant 1 : i32
    %dma_start3A_24 = arith.constant 64 : i32
    %dma_start3A_25 = arith.constant 0 : i32
    %dma_start3A_26 = tpu.memref_slice %arg6[%dma_start3A_24, %dma_start3A_25] : memref<512x128xf32, #tpu.memory_space<vmem>> -> memref<64x128xf32, #tpu.memory_space<vmem>>
    %dma_start3A_27 = arith.constant 64 : i32
    %dma_start3A_28 = tpu.memref_slice %arg5[%dma_start3A_27] : memref<512xi32, #tpu.memory_space<vmem>> -> memref<64xi32, #tpu.memory_space<vmem>>
    %dma_start3A_29 = arith.constant 0 : i32
    %dma_start3A_30 = arith.constant 0 : i32
    %dma_start3A_31 = tpu.memref_slice %arg7[%dma_start3A_29, %dma_start3A_30] : memref<1000x128xf32, #tpu.memory_space<vmem_shared>> -> memref<1000x128xf32, #tpu.memory_space<vmem_shared>>
    %dma_start3A_32 = tpu.memref_slice %arg8[%dma_start3A_23] : memref<8x!tpu.dma_semaphore, #tpu.memory_space<semaphore_mem>> -> memref<1x!tpu.dma_semaphore, #tpu.memory_space<semaphore_mem>>
    %dma_start3A_33 = tpu.memref_squeeze %dma_start3A_32 : memref<1x!tpu.dma_semaphore, #tpu.memory_space<semaphore_mem>> -> memref<!tpu.dma_semaphore, #tpu.memory_space<semaphore_mem>>
    tpu.enqueue_indirect_dma source(%dma_start3A_31 : memref<1000x128xf32, #tpu.memory_space<vmem_shared>>) target(%dma_start3A_26 : memref<64x128xf32, #tpu.memory_space<vmem>>) offsets(%dma_start3A_28 : memref<64xi32, #tpu.memory_space<vmem>>) semaphore(%dma_start3A_33 : memref<!tpu.dma_semaphore, #tpu.memory_space<semaphore_mem>>)
    %dma_start3A_34 = arith.constant 2 : i32
    %dma_start3A_35 = arith.constant 128 : i32
    %dma_start3A_36 = arith.constant 0 : i32
    %dma_start3A_37 = tpu.memref_slice %arg6[%dma_start3A_35, %dma_start3A_36] : memref<512x128xf32, #tpu.memory_space<vmem>> -> memref<64x128xf32, #tpu.memory_space<vmem>>
    %dma_start3A_38 = arith.constant 128 : i32
    %dma_start3A_39 = tpu.memref_slice %arg5[%dma_start3A_38] : memref<512xi32, #tpu.memory_space<vmem>> -> memref<64xi32, #tpu.memory_space<vmem>>
    %dma_start3A_40 = arith.constant 0 : i32
    %dma_start3A_41 = arith.constant 0 : i32
    %dma_start3A_42 = tpu.memref_slice %arg7[%dma_start3A_40, %dma_start3A_41] : memref<1000x128xf32, #tpu.memory_space<vmem_shared>> -> memref<1000x128xf32, #tpu.memory_space<vmem_shared>>
    %dma_start3A_43 = tpu.memref_slice %arg8[%dma_start3A_34] : memref<8x!tpu.dma_semaphore, #tpu.memory_space<semaphore_mem>> -> memref<1x!tpu.dma_semaphore, #tpu.memory_space<semaphore_mem>>
    %dma_start3A_44 = tpu.memref_squeeze %dma_start3A_43 : memref<1x!tpu.dma_semaphore, #tpu.memory_space<semaphore_mem>> -> memref<!tpu.dma_semaphore, #tpu.memory_space<semaphore_mem>>
    tpu.enqueue_indirect_dma source(%dma_start3A_42 : memref<1000x128xf32, #tpu.memory_space<vmem_shared>>) target(%dma_start3A_37 : memref<64x128xf32, #tpu.memory_space<vmem>>) offsets(%dma_start3A_39 : memref<64xi32, #tpu.memory_space<vmem>>) semaphore(%dma_start3A_44 : memref<!tpu.dma_semaphore, #tpu.memory_space<semaphore_mem>>)
    %dma_start3A_45 = arith.constant 3 : i32
    %dma_start3A_46 = arith.constant 192 : i32
    %dma_start3A_47 = arith.constant 0 : i32
    %dma_start3A_48 = tpu.memref_slice %arg6[%dma_start3A_46, %dma_start3A_47] : memref<512x128xf32, #tpu.memory_space<vmem>> -> memref<64x128xf32, #tpu.memory_space<vmem>>
    %dma_start3A_49 = arith.constant 192 : i32
    %dma_start3A_50 = tpu.memref_slice %arg5[%dma_start3A_49] : memref<512xi32, #tpu.memory_space<vmem>> -> memref<64xi32, #tpu.memory_space<vmem>>
    %dma_start3A_51 = arith.constant 0 : i32
    %dma_start3A_52 = arith.constant 0 : i32
    %dma_start3A_53 = tpu.memref_slice %arg7[%dma_start3A_51, %dma_start3A_52] : memref<1000x128xf32, #tpu.memory_space<vmem_shared>> -> memref<1000x128xf32, #tpu.memory_space<vmem_shared>>
    %dma_start3A_54 = tpu.memref_slice %arg8[%dma_start3A_45] : memref<8x!tpu.dma_semaphore, #tpu.memory_space<semaphore_mem>> -> memref<1x!tpu.dma_semaphore, #tpu.memory_space<semaphore_mem>>
    %dma_start3A_55 = tpu.memref_squeeze %dma_start3A_54 : memref<1x!tpu.dma_semaphore, #tpu.memory_space<semaphore_mem>> -> memref<!tpu.dma_semaphore, #tpu.memory_space<semaphore_mem>>
    tpu.enqueue_indirect_dma source(%dma_start3A_53 : memref<1000x128xf32, #tpu.memory_space<vmem_shared>>) target(%dma_start3A_48 : memref<64x128xf32, #tpu.memory_space<vmem>>) offsets(%dma_start3A_50 : memref<64xi32, #tpu.memory_space<vmem>>) semaphore(%dma_start3A_55 : memref<!tpu.dma_semaphore, #tpu.memory_space<semaphore_mem>>)
    %dma_start3A_56 = arith.constant 4 : i32
    %dma_start3A_57 = arith.constant 256 : i32
    %dma_start3A_58 = arith.constant 0 : i32
    %dma_start3A_59 = tpu.memref_slice %arg6[%dma_start3A_57, %dma_start3A_58] : memref<512x128xf32, #tpu.memory_space<vmem>> -> memref<64x128xf32, #tpu.memory_space<vmem>>
    %dma_start3A_60 = arith.constant 256 : i32
    %dma_start3A_61 = tpu.memref_slice %arg5[%dma_start3A_60] : memref<512xi32, #tpu.memory_space<vmem>> -> memref<64xi32, #tpu.memory_space<vmem>>
    %dma_start3A_62 = arith.constant 0 : i32
    %dma_start3A_63 = arith.constant 0 : i32
    %dma_start3A_64 = tpu.memref_slice %arg7[%dma_start3A_62, %dma_start3A_63] : memref<1000x128xf32, #tpu.memory_space<vmem_shared>> -> memref<1000x128xf32, #tpu.memory_space<vmem_shared>>
    %dma_start3A_65 = tpu.memref_slice %arg8[%dma_start3A_56] : memref<8x!tpu.dma_semaphore, #tpu.memory_space<semaphore_mem>> -> memref<1x!tpu.dma_semaphore, #tpu.memory_space<semaphore_mem>>
    %dma_start3A_66 = tpu.memref_squeeze %dma_start3A_65 : memref<1x!tpu.dma_semaphore, #tpu.memory_space<semaphore_mem>> -> memref<!tpu.dma_semaphore, #tpu.memory_space<semaphore_mem>>
    tpu.enqueue_indirect_dma source(%dma_start3A_64 : memref<1000x128xf32, #tpu.memory_space<vmem_shared>>) target(%dma_start3A_59 : memref<64x128xf32, #tpu.memory_space<vmem>>) offsets(%dma_start3A_61 : memref<64xi32, #tpu.memory_space<vmem>>) semaphore(%dma_start3A_66 : memref<!tpu.dma_semaphore, #tpu.memory_space<semaphore_mem>>)
    %dma_start3A_67 = arith.constant 5 : i32
    %dma_start3A_68 = arith.constant 320 : i32
    %dma_start3A_69 = arith.constant 0 : i32
    %dma_start3A_70 = tpu.memref_slice %arg6[%dma_start3A_68, %dma_start3A_69] : memref<512x128xf32, #tpu.memory_space<vmem>> -> memref<64x128xf32, #tpu.memory_space<vmem>>
    %dma_start3A_71 = arith.constant 320 : i32
    %dma_start3A_72 = tpu.memref_slice %arg5[%dma_start3A_71] : memref<512xi32, #tpu.memory_space<vmem>> -> memref<64xi32, #tpu.memory_space<vmem>>
    %dma_start3A_73 = arith.constant 0 : i32
    %dma_start3A_74 = arith.constant 0 : i32
    %dma_start3A_75 = tpu.memref_slice %arg7[%dma_start3A_73, %dma_start3A_74] : memref<1000x128xf32, #tpu.memory_space<vmem_shared>> -> memref<1000x128xf32, #tpu.memory_space<vmem_shared>>
    %dma_start3A_76 = tpu.memref_slice %arg8[%dma_start3A_67] : memref<8x!tpu.dma_semaphore, #tpu.memory_space<semaphore_mem>> -> memref<1x!tpu.dma_semaphore, #tpu.memory_space<semaphore_mem>>
    %dma_start3A_77 = tpu.memref_squeeze %dma_start3A_76 : memref<1x!tpu.dma_semaphore, #tpu.memory_space<semaphore_mem>> -> memref<!tpu.dma_semaphore, #tpu.memory_space<semaphore_mem>>
    tpu.enqueue_indirect_dma source(%dma_start3A_75 : memref<1000x128xf32, #tpu.memory_space<vmem_shared>>) target(%dma_start3A_70 : memref<64x128xf32, #tpu.memory_space<vmem>>) offsets(%dma_start3A_72 : memref<64xi32, #tpu.memory_space<vmem>>) semaphore(%dma_start3A_77 : memref<!tpu.dma_semaphore, #tpu.memory_space<semaphore_mem>>)
    %dma_start3A_78 = arith.constant 6 : i32
    %dma_start3A_79 = arith.constant 384 : i32
    %dma_start3A_80 = arith.constant 0 : i32
    %dma_start3A_81 = tpu.memref_slice %arg6[%dma_start3A_79, %dma_start3A_80] : memref<512x128xf32, #tpu.memory_space<vmem>> -> memref<64x128xf32, #tpu.memory_space<vmem>>
    %dma_start3A_82 = arith.constant 384 : i32
    %dma_start3A_83 = tpu.memref_slice %arg5[%dma_start3A_82] : memref<512xi32, #tpu.memory_space<vmem>> -> memref<64xi32, #tpu.memory_space<vmem>>
    %dma_start3A_84 = arith.constant 0 : i32
    %dma_start3A_85 = arith.constant 0 : i32
    %dma_start3A_86 = tpu.memref_slice %arg7[%dma_start3A_84, %dma_start3A_85] : memref<1000x128xf32, #tpu.memory_space<vmem_shared>> -> memref<1000x128xf32, #tpu.memory_space<vmem_shared>>
    %dma_start3A_87 = tpu.memref_slice %arg8[%dma_start3A_78] : memref<8x!tpu.dma_semaphore, #tpu.memory_space<semaphore_mem>> -> memref<1x!tpu.dma_semaphore, #tpu.memory_space<semaphore_mem>>
    %dma_start3A_88 = tpu.memref_squeeze %dma_start3A_87 : memref<1x!tpu.dma_semaphore, #tpu.memory_space<semaphore_mem>> -> memref<!tpu.dma_semaphore, #tpu.memory_space<semaphore_mem>>
    tpu.enqueue_indirect_dma source(%dma_start3A_86 : memref<1000x128xf32, #tpu.memory_space<vmem_shared>>) target(%dma_start3A_81 : memref<64x128xf32, #tpu.memory_space<vmem>>) offsets(%dma_start3A_83 : memref<64xi32, #tpu.memory_space<vmem>>) semaphore(%dma_start3A_88 : memref<!tpu.dma_semaphore, #tpu.memory_space<semaphore_mem>>)
    %dma_start3A_89 = arith.constant 7 : i32
    %dma_start3A_90 = arith.constant 448 : i32
    %dma_start3A_91 = arith.constant 0 : i32
    %dma_start3A_92 = tpu.memref_slice %arg6[%dma_start3A_90, %dma_start3A_91] : memref<512x128xf32, #tpu.memory_space<vmem>> -> memref<64x128xf32, #tpu.memory_space<vmem>>
    %dma_start3A_93 = arith.constant 448 : i32
    %dma_start3A_94 = tpu.memref_slice %arg5[%dma_start3A_93] : memref<512xi32, #tpu.memory_space<vmem>> -> memref<64xi32, #tpu.memory_space<vmem>>
    %dma_start3A_95 = arith.constant 0 : i32
    %dma_start3A_96 = arith.constant 0 : i32
    %dma_start3A_97 = tpu.memref_slice %arg7[%dma_start3A_95, %dma_start3A_96] : memref<1000x128xf32, #tpu.memory_space<vmem_shared>> -> memref<1000x128xf32, #tpu.memory_space<vmem_shared>>
    %dma_start3A_98 = tpu.memref_slice %arg8[%dma_start3A_89] : memref<8x!tpu.dma_semaphore, #tpu.memory_space<semaphore_mem>> -> memref<1x!tpu.dma_semaphore, #tpu.memory_space<semaphore_mem>>
    %dma_start3A_99 = tpu.memref_squeeze %dma_start3A_98 : memref<1x!tpu.dma_semaphore, #tpu.memory_space<semaphore_mem>> -> memref<!tpu.dma_semaphore, #tpu.memory_space<semaphore_mem>>
    tpu.enqueue_indirect_dma source(%dma_start3A_97 : memref<1000x128xf32, #tpu.memory_space<vmem_shared>>) target(%dma_start3A_92 : memref<64x128xf32, #tpu.memory_space<vmem>>) offsets(%dma_start3A_94 : memref<64xi32, #tpu.memory_space<vmem>>) semaphore(%dma_start3A_99 : memref<!tpu.dma_semaphore, #tpu.memory_space<semaphore_mem>>)
    %dma_wait3A_100 = arith.constant 0 : i32
    %dma_wait3A_101 = arith.constant 0 : i32
    %dma_wait3A_102 = arith.constant 0 : i32
    %dma_wait3A_103 = tpu.memref_slice %arg6[%dma_wait3A_101, %dma_wait3A_102] : memref<512x128xf32, #tpu.memory_space<vmem>> -> memref<64x128xf32, #tpu.memory_space<vmem>>
    %dma_wait3A_104 = arith.constant 0 : i32
    %dma_wait3A_105 = tpu.memref_slice %arg5[%dma_wait3A_104] : memref<512xi32, #tpu.memory_space<vmem>> -> memref<64xi32, #tpu.memory_space<vmem>>
    %dma_wait3A_106 = arith.constant 0 : i32
    %dma_wait3A_107 = arith.constant 0 : i32
    %dma_wait3A_108 = tpu.memref_slice %arg3[%dma_wait3A_106, %dma_wait3A_107] : memref<1000x128xf32, #tpu.memory_space<hbm>> -> memref<1000x128xf32, #tpu.memory_space<hbm>>
    %dma_wait3A_109 = tpu.memref_slice %arg8[%dma_wait3A_100] : memref<8x!tpu.dma_semaphore, #tpu.memory_space<semaphore_mem>> -> memref<1x!tpu.dma_semaphore, #tpu.memory_space<semaphore_mem>>
    %dma_wait3A_110 = tpu.memref_squeeze %dma_wait3A_109 : memref<1x!tpu.dma_semaphore, #tpu.memory_space<semaphore_mem>> -> memref<!tpu.dma_semaphore, #tpu.memory_space<semaphore_mem>>
    tpu.wait_indirect_dma semaphore(%dma_wait3A_110 : memref<!tpu.dma_semaphore, #tpu.memory_space<semaphore_mem>>) src(%dma_wait3A_108 : memref<1000x128xf32, #tpu.memory_space<hbm>>) dst(%dma_wait3A_103 : memref<64x128xf32, #tpu.memory_space<vmem>>)
    %add3A_111 = arith.constant 0 : i32
    %add3A_112 = arith.addi %mul3A_2, %add3A_111 : i32
    %dma_start3A_113 = arith.constant 0 : i32
    %dma_start3A_114 = arith.constant 0 : i32
    %dma_start3A_115 = tpu.memref_slice %arg6[%dma_start3A_113, %dma_start3A_114] : memref<512x128xf32, #tpu.memory_space<vmem>> -> memref<64x128xf32, #tpu.memory_space<vmem>>
    %dma_start3A_116 = arith.constant 0 : i32
    %dma_start3A_117 = tpu.memref_slice %arg4[%add3A_112, %dma_start3A_116] : memref<16384x128xf32, #tpu.memory_space<hbm>> -> memref<64x128xf32, #tpu.memory_space<hbm>>
    %dma_start3A_118 = arith.constant 0 : i32
    %dma_start3A_119 = tpu.memref_slice %arg4[%add3A_112, %dma_start3A_118] : memref<16384x128xf32, #tpu.memory_space<hbm>> -> memref<64x128xf32, #tpu.memory_space<hbm>>
    %dma_start3A_120 = arith.constant 0 : i32
    %dma_start3A_121 = arith.constant 0 : i32
    %dma_start3A_122 = tpu.memref_slice %arg6[%dma_start3A_120, %dma_start3A_121] : memref<512x128xf32, #tpu.memory_space<vmem>> -> memref<64x128xf32, #tpu.memory_space<vmem>>
    tpu.enqueue_dma source(%dma_start3A_122 : memref<64x128xf32, #tpu.memory_space<vmem>>) target(%dma_start3A_119 : memref<64x128xf32, #tpu.memory_space<hbm>>) target_semaphore(%arg9 : memref<!tpu.dma_semaphore, #tpu.memory_space<semaphore_mem>>)
    %dma_wait3A_123 = arith.constant 1 : i32
    %dma_wait3A_124 = arith.constant 64 : i32
    %dma_wait3A_125 = arith.constant 0 : i32
    %dma_wait3A_126 = tpu.memref_slice %arg6[%dma_wait3A_124, %dma_wait3A_125] : memref<512x128xf32, #tpu.memory_space<vmem>> -> memref<64x128xf32, #tpu.memory_space<vmem>>
    %dma_wait3A_127 = arith.constant 64 : i32
    %dma_wait3A_128 = tpu.memref_slice %arg5[%dma_wait3A_127] : memref<512xi32, #tpu.memory_space<vmem>> -> memref<64xi32, #tpu.memory_space<vmem>>
    %dma_wait3A_129 = arith.constant 0 : i32
    %dma_wait3A_130 = arith.constant 0 : i32
    %dma_wait3A_131 = tpu.memref_slice %arg7[%dma_wait3A_129, %dma_wait3A_130] : memref<1000x128xf32, #tpu.memory_space<vmem_shared>> -> memref<1000x128xf32, #tpu.memory_space<vmem_shared>>
    %dma_wait3A_132 = tpu.memref_slice %arg8[%dma_wait3A_123] : memref<8x!tpu.dma_semaphore, #tpu.memory_space<semaphore_mem>> -> memref<1x!tpu.dma_semaphore, #tpu.memory_space<semaphore_mem>>
    %dma_wait3A_133 = tpu.memref_squeeze %dma_wait3A_132 : memref<1x!tpu.dma_semaphore, #tpu.memory_space<semaphore_mem>> -> memref<!tpu.dma_semaphore, #tpu.memory_space<semaphore_mem>>
    tpu.wait_indirect_dma semaphore(%dma_wait3A_133 : memref<!tpu.dma_semaphore, #tpu.memory_space<semaphore_mem>>) src(%dma_wait3A_131 : memref<1000x128xf32, #tpu.memory_space<vmem_shared>>) dst(%dma_wait3A_126 : memref<64x128xf32, #tpu.memory_space<vmem>>)
    %add3A_134 = arith.constant 64 : i32
    %add3A_135 = arith.addi %mul3A_2, %add3A_134 : i32
    %dma_start3A_136 = arith.constant 64 : i32
    %dma_start3A_137 = arith.constant 0 : i32
    %dma_start3A_138 = tpu.memref_slice %arg6[%dma_start3A_136, %dma_start3A_137] : memref<512x128xf32, #tpu.memory_space<vmem>> -> memref<64x128xf32, #tpu.memory_space<vmem>>
    %dma_start3A_139 = arith.constant 0 : i32
    %dma_start3A_140 = tpu.memref_slice %arg4[%add3A_135, %dma_start3A_139] : memref<16384x128xf32, #tpu.memory_space<hbm>> -> memref<64x128xf32, #tpu.memory_space<hbm>>
    %dma_start3A_141 = arith.constant 0 : i32
    %dma_start3A_142 = tpu.memref_slice %arg4[%add3A_135, %dma_start3A_141] : memref<16384x128xf32, #tpu.memory_space<hbm>> -> memref<64x128xf32, #tpu.memory_space<hbm>>
    %dma_start3A_143 = arith.constant 64 : i32
    %dma_start3A_144 = arith.constant 0 : i32
    %dma_start3A_145 = tpu.memref_slice %arg6[%dma_start3A_143, %dma_start3A_144] : memref<512x128xf32, #tpu.memory_space<vmem>> -> memref<64x128xf32, #tpu.memory_space<vmem>>
    tpu.enqueue_dma source(%dma_start3A_145 : memref<64x128xf32, #tpu.memory_space<vmem>>) target(%dma_start3A_142 : memref<64x128xf32, #tpu.memory_space<hbm>>) target_semaphore(%arg9 : memref<!tpu.dma_semaphore, #tpu.memory_space<semaphore_mem>>)
    %dma_wait3A_146 = arith.constant 2 : i32
    %dma_wait3A_147 = arith.constant 128 : i32
    %dma_wait3A_148 = arith.constant 0 : i32
    %dma_wait3A_149 = tpu.memref_slice %arg6[%dma_wait3A_147, %dma_wait3A_148] : memref<512x128xf32, #tpu.memory_space<vmem>> -> memref<64x128xf32, #tpu.memory_space<vmem>>
    %dma_wait3A_150 = arith.constant 128 : i32
    %dma_wait3A_151 = tpu.memref_slice %arg5[%dma_wait3A_150] : memref<512xi32, #tpu.memory_space<vmem>> -> memref<64xi32, #tpu.memory_space<vmem>>
    %dma_wait3A_152 = arith.constant 0 : i32
    %dma_wait3A_153 = arith.constant 0 : i32
    %dma_wait3A_154 = tpu.memref_slice %arg7[%dma_wait3A_152, %dma_wait3A_153] : memref<1000x128xf32, #tpu.memory_space<vmem_shared>> -> memref<1000x128xf32, #tpu.memory_space<vmem_shared>>
    %dma_wait3A_155 = tpu.memref_slice %arg8[%dma_wait3A_146] : memref<8x!tpu.dma_semaphore, #tpu.memory_space<semaphore_mem>> -> memref<1x!tpu.dma_semaphore, #tpu.memory_space<semaphore_mem>>
    %dma_wait3A_156 = tpu.memref_squeeze %dma_wait3A_155 : memref<1x!tpu.dma_semaphore, #tpu.memory_space<semaphore_mem>> -> memref<!tpu.dma_semaphore, #tpu.memory_space<semaphore_mem>>
    tpu.wait_indirect_dma semaphore(%dma_wait3A_156 : memref<!tpu.dma_semaphore, #tpu.memory_space<semaphore_mem>>) src(%dma_wait3A_154 : memref<1000x128xf32, #tpu.memory_space<vmem_shared>>) dst(%dma_wait3A_149 : memref<64x128xf32, #tpu.memory_space<vmem>>)
    %add3A_157 = arith.constant 128 : i32
    %add3A_158 = arith.addi %mul3A_2, %add3A_157 : i32
    %dma_start3A_159 = arith.constant 128 : i32
    %dma_start3A_160 = arith.constant 0 : i32
    %dma_start3A_161 = tpu.memref_slice %arg6[%dma_start3A_159, %dma_start3A_160] : memref<512x128xf32, #tpu.memory_space<vmem>> -> memref<64x128xf32, #tpu.memory_space<vmem>>
    %dma_start3A_162 = arith.constant 0 : i32
    %dma_start3A_163 = tpu.memref_slice %arg4[%add3A_158, %dma_start3A_162] : memref<16384x128xf32, #tpu.memory_space<hbm>> -> memref<64x128xf32, #tpu.memory_space<hbm>>
    %dma_start3A_164 = arith.constant 0 : i32
    %dma_start3A_165 = tpu.memref_slice %arg4[%add3A_158, %dma_start3A_164] : memref<16384x128xf32, #tpu.memory_space<hbm>> -> memref<64x128xf32, #tpu.memory_space<hbm>>
    %dma_start3A_166 = arith.constant 128 : i32
    %dma_start3A_167 = arith.constant 0 : i32
    %dma_start3A_168 = tpu.memref_slice %arg6[%dma_start3A_166, %dma_start3A_167] : memref<512x128xf32, #tpu.memory_space<vmem>> -> memref<64x128xf32, #tpu.memory_space<vmem>>
    tpu.enqueue_dma source(%dma_start3A_168 : memref<64x128xf32, #tpu.memory_space<vmem>>) target(%dma_start3A_165 : memref<64x128xf32, #tpu.memory_space<hbm>>) target_semaphore(%arg9 : memref<!tpu.dma_semaphore, #tpu.memory_space<semaphore_mem>>)
    %dma_wait3A_169 = arith.constant 3 : i32
    %dma_wait3A_170 = arith.constant 192 : i32
    %dma_wait3A_171 = arith.constant 0 : i32
    %dma_wait3A_172 = tpu.memref_slice %arg6[%dma_wait3A_170, %dma_wait3A_171] : memref<512x128xf32, #tpu.memory_space<vmem>> -> memref<64x128xf32, #tpu.memory_space<vmem>>
    %dma_wait3A_173 = arith.constant 192 : i32
    %dma_wait3A_174 = tpu.memref_slice %arg5[%dma_wait3A_173] : memref<512xi32, #tpu.memory_space<vmem>> -> memref<64xi32, #tpu.memory_space<vmem>>
    %dma_wait3A_175 = arith.constant 0 : i32
    %dma_wait3A_176 = arith.constant 0 : i32
    %dma_wait3A_177 = tpu.memref_slice %arg7[%dma_wait3A_175, %dma_wait3A_176] : memref<1000x128xf32, #tpu.memory_space<vmem_shared>> -> memref<1000x128xf32, #tpu.memory_space<vmem_shared>>
    %dma_wait3A_178 = tpu.memref_slice %arg8[%dma_wait3A_169] : memref<8x!tpu.dma_semaphore, #tpu.memory_space<semaphore_mem>> -> memref<1x!tpu.dma_semaphore, #tpu.memory_space<semaphore_mem>>
    %dma_wait3A_179 = tpu.memref_squeeze %dma_wait3A_178 : memref<1x!tpu.dma_semaphore, #tpu.memory_space<semaphore_mem>> -> memref<!tpu.dma_semaphore, #tpu.memory_space<semaphore_mem>>
    tpu.wait_indirect_dma semaphore(%dma_wait3A_179 : memref<!tpu.dma_semaphore, #tpu.memory_space<semaphore_mem>>) src(%dma_wait3A_177 : memref<1000x128xf32, #tpu.memory_space<vmem_shared>>) dst(%dma_wait3A_172 : memref<64x128xf32, #tpu.memory_space<vmem>>)
    %add3A_180 = arith.constant 192 : i32
    %add3A_181 = arith.addi %mul3A_2, %add3A_180 : i32
    %dma_start3A_182 = arith.constant 192 : i32
    %dma_start3A_183 = arith.constant 0 : i32
    %dma_start3A_184 = tpu.memref_slice %arg6[%dma_start3A_182, %dma_start3A_183] : memref<512x128xf32, #tpu.memory_space<vmem>> -> memref<64x128xf32, #tpu.memory_space<vmem>>
    %dma_start3A_185 = arith.constant 0 : i32
    %dma_start3A_186 = tpu.memref_slice %arg4[%add3A_181, %dma_start3A_185] : memref<16384x128xf32, #tpu.memory_space<hbm>> -> memref<64x128xf32, #tpu.memory_space<hbm>>
    %dma_start3A_187 = arith.constant 0 : i32
    %dma_start3A_188 = tpu.memref_slice %arg4[%add3A_181, %dma_start3A_187] : memref<16384x128xf32, #tpu.memory_space<hbm>> -> memref<64x128xf32, #tpu.memory_space<hbm>>
    %dma_start3A_189 = arith.constant 192 : i32
    %dma_start3A_190 = arith.constant 0 : i32
    %dma_start3A_191 = tpu.memref_slice %arg6[%dma_start3A_189, %dma_start3A_190] : memref<512x128xf32, #tpu.memory_space<vmem>> -> memref<64x128xf32, #tpu.memory_space<vmem>>
    tpu.enqueue_dma source(%dma_start3A_191 : memref<64x128xf32, #tpu.memory_space<vmem>>) target(%dma_start3A_188 : memref<64x128xf32, #tpu.memory_space<hbm>>) target_semaphore(%arg9 : memref<!tpu.dma_semaphore, #tpu.memory_space<semaphore_mem>>)
    %dma_wait3A_192 = arith.constant 4 : i32
    %dma_wait3A_193 = arith.constant 256 : i32
    %dma_wait3A_194 = arith.constant 0 : i32
    %dma_wait3A_195 = tpu.memref_slice %arg6[%dma_wait3A_193, %dma_wait3A_194] : memref<512x128xf32, #tpu.memory_space<vmem>> -> memref<64x128xf32, #tpu.memory_space<vmem>>
    %dma_wait3A_196 = arith.constant 256 : i32
    %dma_wait3A_197 = tpu.memref_slice %arg5[%dma_wait3A_196] : memref<512xi32, #tpu.memory_space<vmem>> -> memref<64xi32, #tpu.memory_space<vmem>>
    %dma_wait3A_198 = arith.constant 0 : i32
    %dma_wait3A_199 = arith.constant 0 : i32
    %dma_wait3A_200 = tpu.memref_slice %arg7[%dma_wait3A_198, %dma_wait3A_199] : memref<1000x128xf32, #tpu.memory_space<vmem_shared>> -> memref<1000x128xf32, #tpu.memory_space<vmem_shared>>
    %dma_wait3A_201 = tpu.memref_slice %arg8[%dma_wait3A_192] : memref<8x!tpu.dma_semaphore, #tpu.memory_space<semaphore_mem>> -> memref<1x!tpu.dma_semaphore, #tpu.memory_space<semaphore_mem>>
    %dma_wait3A_202 = tpu.memref_squeeze %dma_wait3A_201 : memref<1x!tpu.dma_semaphore, #tpu.memory_space<semaphore_mem>> -> memref<!tpu.dma_semaphore, #tpu.memory_space<semaphore_mem>>
    tpu.wait_indirect_dma semaphore(%dma_wait3A_202 : memref<!tpu.dma_semaphore, #tpu.memory_space<semaphore_mem>>) src(%dma_wait3A_200 : memref<1000x128xf32, #tpu.memory_space<vmem_shared>>) dst(%dma_wait3A_195 : memref<64x128xf32, #tpu.memory_space<vmem>>)
    %add3A_203 = arith.constant 256 : i32
    %add3A_204 = arith.addi %mul3A_2, %add3A_203 : i32
    %dma_start3A_205 = arith.constant 256 : i32
    %dma_start3A_206 = arith.constant 0 : i32
    %dma_start3A_207 = tpu.memref_slice %arg6[%dma_start3A_205, %dma_start3A_206] : memref<512x128xf32, #tpu.memory_space<vmem>> -> memref<64x128xf32, #tpu.memory_space<vmem>>
    %dma_start3A_208 = arith.constant 0 : i32
    %dma_start3A_209 = tpu.memref_slice %arg4[%add3A_204, %dma_start3A_208] : memref<16384x128xf32, #tpu.memory_space<hbm>> -> memref<64x128xf32, #tpu.memory_space<hbm>>
    %dma_start3A_210 = arith.constant 0 : i32
    %dma_start3A_211 = tpu.memref_slice %arg4[%add3A_204, %dma_start3A_210] : memref<16384x128xf32, #tpu.memory_space<hbm>> -> memref<64x128xf32, #tpu.memory_space<hbm>>
    %dma_start3A_212 = arith.constant 256 : i32
    %dma_start3A_213 = arith.constant 0 : i32
    %dma_start3A_214 = tpu.memref_slice %arg6[%dma_start3A_212, %dma_start3A_213] : memref<512x128xf32, #tpu.memory_space<vmem>> -> memref<64x128xf32, #tpu.memory_space<vmem>>
    tpu.enqueue_dma source(%dma_start3A_214 : memref<64x128xf32, #tpu.memory_space<vmem>>) target(%dma_start3A_211 : memref<64x128xf32, #tpu.memory_space<hbm>>) target_semaphore(%arg9 : memref<!tpu.dma_semaphore, #tpu.memory_space<semaphore_mem>>)
    %dma_wait3A_215 = arith.constant 5 : i32
    %dma_wait3A_216 = arith.constant 320 : i32
    %dma_wait3A_217 = arith.constant 0 : i32
    %dma_wait3A_218 = tpu.memref_slice %arg6[%dma_wait3A_216, %dma_wait3A_217] : memref<512x128xf32, #tpu.memory_space<vmem>> -> memref<64x128xf32, #tpu.memory_space<vmem>>
    %dma_wait3A_219 = arith.constant 320 : i32
    %dma_wait3A_220 = tpu.memref_slice %arg5[%dma_wait3A_219] : memref<512xi32, #tpu.memory_space<vmem>> -> memref<64xi32, #tpu.memory_space<vmem>>
    %dma_wait3A_221 = arith.constant 0 : i32
    %dma_wait3A_222 = arith.constant 0 : i32
    %dma_wait3A_223 = tpu.memref_slice %arg7[%dma_wait3A_221, %dma_wait3A_222] : memref<1000x128xf32, #tpu.memory_space<vmem_shared>> -> memref<1000x128xf32, #tpu.memory_space<vmem_shared>>
    %dma_wait3A_224 = tpu.memref_slice %arg8[%dma_wait3A_215] : memref<8x!tpu.dma_semaphore, #tpu.memory_space<semaphore_mem>> -> memref<1x!tpu.dma_semaphore, #tpu.memory_space<semaphore_mem>>
    %dma_wait3A_225 = tpu.memref_squeeze %dma_wait3A_224 : memref<1x!tpu.dma_semaphore, #tpu.memory_space<semaphore_mem>> -> memref<!tpu.dma_semaphore, #tpu.memory_space<semaphore_mem>>
    tpu.wait_indirect_dma semaphore(%dma_wait3A_225 : memref<!tpu.dma_semaphore, #tpu.memory_space<semaphore_mem>>) src(%dma_wait3A_223 : memref<1000x128xf32, #tpu.memory_space<vmem_shared>>) dst(%dma_wait3A_218 : memref<64x128xf32, #tpu.memory_space<vmem>>)
    %add3A_226 = arith.constant 320 : i32
    %add3A_227 = arith.addi %mul3A_2, %add3A_226 : i32
    %dma_start3A_228 = arith.constant 320 : i32
    %dma_start3A_229 = arith.constant 0 : i32
    %dma_start3A_230 = tpu.memref_slice %arg6[%dma_start3A_228, %dma_start3A_229] : memref<512x128xf32, #tpu.memory_space<vmem>> -> memref<64x128xf32, #tpu.memory_space<vmem>>
    %dma_start3A_231 = arith.constant 0 : i32
    %dma_start3A_232 = tpu.memref_slice %arg4[%add3A_227, %dma_start3A_231] : memref<16384x128xf32, #tpu.memory_space<hbm>> -> memref<64x128xf32, #tpu.memory_space<hbm>>
    %dma_start3A_233 = arith.constant 0 : i32
    %dma_start3A_234 = tpu.memref_slice %arg4[%add3A_227, %dma_start3A_233] : memref<16384x128xf32, #tpu.memory_space<hbm>> -> memref<64x128xf32, #tpu.memory_space<hbm>>
    %dma_start3A_235 = arith.constant 320 : i32
    %dma_start3A_236 = arith.constant 0 : i32
    %dma_start3A_237 = tpu.memref_slice %arg6[%dma_start3A_235, %dma_start3A_236] : memref<512x128xf32, #tpu.memory_space<vmem>> -> memref<64x128xf32, #tpu.memory_space<vmem>>
    tpu.enqueue_dma source(%dma_start3A_237 : memref<64x128xf32, #tpu.memory_space<vmem>>) target(%dma_start3A_234 : memref<64x128xf32, #tpu.memory_space<hbm>>) target_semaphore(%arg9 : memref<!tpu.dma_semaphore, #tpu.memory_space<semaphore_mem>>)
    %dma_wait3A_238 = arith.constant 6 : i32
    %dma_wait3A_239 = arith.constant 384 : i32
    %dma_wait3A_240 = arith.constant 0 : i32
    %dma_wait3A_241 = tpu.memref_slice %arg6[%dma_wait3A_239, %dma_wait3A_240] : memref<512x128xf32, #tpu.memory_space<vmem>> -> memref<64x128xf32, #tpu.memory_space<vmem>>
    %dma_wait3A_242 = arith.constant 384 : i32
    %dma_wait3A_243 = tpu.memref_slice %arg5[%dma_wait3A_242] : memref<512xi32, #tpu.memory_space<vmem>> -> memref<64xi32, #tpu.memory_space<vmem>>
    %dma_wait3A_244 = arith.constant 0 : i32
    %dma_wait3A_245 = arith.constant 0 : i32
    %dma_wait3A_246 = tpu.memref_slice %arg7[%dma_wait3A_244, %dma_wait3A_245] : memref<1000x128xf32, #tpu.memory_space<vmem_shared>> -> memref<1000x128xf32, #tpu.memory_space<vmem_shared>>
    %dma_wait3A_247 = tpu.memref_slice %arg8[%dma_wait3A_238] : memref<8x!tpu.dma_semaphore, #tpu.memory_space<semaphore_mem>> -> memref<1x!tpu.dma_semaphore, #tpu.memory_space<semaphore_mem>>
    %dma_wait3A_248 = tpu.memref_squeeze %dma_wait3A_247 : memref<1x!tpu.dma_semaphore, #tpu.memory_space<semaphore_mem>> -> memref<!tpu.dma_semaphore, #tpu.memory_space<semaphore_mem>>
    tpu.wait_indirect_dma semaphore(%dma_wait3A_248 : memref<!tpu.dma_semaphore, #tpu.memory_space<semaphore_mem>>) src(%dma_wait3A_246 : memref<1000x128xf32, #tpu.memory_space<vmem_shared>>) dst(%dma_wait3A_241 : memref<64x128xf32, #tpu.memory_space<vmem>>)
    %add3A_249 = arith.constant 384 : i32
    %add3A_250 = arith.addi %mul3A_2, %add3A_249 : i32
    %dma_start3A_251 = arith.constant 384 : i32
    %dma_start3A_252 = arith.constant 0 : i32
    %dma_start3A_253 = tpu.memref_slice %arg6[%dma_start3A_251, %dma_start3A_252] : memref<512x128xf32, #tpu.memory_space<vmem>> -> memref<64x128xf32, #tpu.memory_space<vmem>>
    %dma_start3A_254 = arith.constant 0 : i32
    %dma_start3A_255 = tpu.memref_slice %arg4[%add3A_250, %dma_start3A_254] : memref<16384x128xf32, #tpu.memory_space<hbm>> -> memref<64x128xf32, #tpu.memory_space<hbm>>
    %dma_start3A_256 = arith.constant 0 : i32
    %dma_start3A_257 = tpu.memref_slice %arg4[%add3A_250, %dma_start3A_256] : memref<16384x128xf32, #tpu.memory_space<hbm>> -> memref<64x128xf32, #tpu.memory_space<hbm>>
    %dma_start3A_258 = arith.constant 384 : i32
    %dma_start3A_259 = arith.constant 0 : i32
    %dma_start3A_260 = tpu.memref_slice %arg6[%dma_start3A_258, %dma_start3A_259] : memref<512x128xf32, #tpu.memory_space<vmem>> -> memref<64x128xf32, #tpu.memory_space<vmem>>
    tpu.enqueue_dma source(%dma_start3A_260 : memref<64x128xf32, #tpu.memory_space<vmem>>) target(%dma_start3A_257 : memref<64x128xf32, #tpu.memory_space<hbm>>) target_semaphore(%arg9 : memref<!tpu.dma_semaphore, #tpu.memory_space<semaphore_mem>>)
    %dma_wait3A_261 = arith.constant 7 : i32
    %dma_wait3A_262 = arith.constant 448 : i32
    %dma_wait3A_263 = arith.constant 0 : i32
    %dma_wait3A_264 = tpu.memref_slice %arg6[%dma_wait3A_262, %dma_wait3A_263] : memref<512x128xf32, #tpu.memory_space<vmem>> -> memref<64x128xf32, #tpu.memory_space<vmem>>
    %dma_wait3A_265 = arith.constant 448 : i32
    %dma_wait3A_266 = tpu.memref_slice %arg5[%dma_wait3A_265] : memref<512xi32, #tpu.memory_space<vmem>> -> memref<64xi32, #tpu.memory_space<vmem>>
    %dma_wait3A_267 = arith.constant 0 : i32
    %dma_wait3A_268 = arith.constant 0 : i32
    %dma_wait3A_269 = tpu.memref_slice %arg7[%dma_wait3A_267, %dma_wait3A_268] : memref<1000x128xf32, #tpu.memory_space<vmem_shared>> -> memref<1000x128xf32, #tpu.memory_space<vmem_shared>>
    %dma_wait3A_270 = tpu.memref_slice %arg8[%dma_wait3A_261] : memref<8x!tpu.dma_semaphore, #tpu.memory_space<semaphore_mem>> -> memref<1x!tpu.dma_semaphore, #tpu.memory_space<semaphore_mem>>
    %dma_wait3A_271 = tpu.memref_squeeze %dma_wait3A_270 : memref<1x!tpu.dma_semaphore, #tpu.memory_space<semaphore_mem>> -> memref<!tpu.dma_semaphore, #tpu.memory_space<semaphore_mem>>
    tpu.wait_indirect_dma semaphore(%dma_wait3A_271 : memref<!tpu.dma_semaphore, #tpu.memory_space<semaphore_mem>>) src(%dma_wait3A_269 : memref<1000x128xf32, #tpu.memory_space<vmem_shared>>) dst(%dma_wait3A_264 : memref<64x128xf32, #tpu.memory_space<vmem>>)
    %add3A_272 = arith.constant 448 : i32
    %add3A_273 = arith.addi %mul3A_2, %add3A_272 : i32
    %dma_start3A_274 = arith.constant 448 : i32
    %dma_start3A_275 = arith.constant 0 : i32
    %dma_start3A_276 = tpu.memref_slice %arg6[%dma_start3A_274, %dma_start3A_275] : memref<512x128xf32, #tpu.memory_space<vmem>> -> memref<64x128xf32, #tpu.memory_space<vmem>>
    %dma_start3A_277 = arith.constant 0 : i32
    %dma_start3A_278 = tpu.memref_slice %arg4[%add3A_273, %dma_start3A_277] : memref<16384x128xf32, #tpu.memory_space<hbm>> -> memref<64x128xf32, #tpu.memory_space<hbm>>
    %dma_start3A_279 = arith.constant 0 : i32
    %dma_start3A_280 = tpu.memref_slice %arg4[%add3A_273, %dma_start3A_279] : memref<16384x128xf32, #tpu.memory_space<hbm>> -> memref<64x128xf32, #tpu.memory_space<hbm>>
    %dma_start3A_281 = arith.constant 448 : i32
    %dma_start3A_282 = arith.constant 0 : i32
    %dma_start3A_283 = tpu.memref_slice %arg6[%dma_start3A_281, %dma_start3A_282] : memref<512x128xf32, #tpu.memory_space<vmem>> -> memref<64x128xf32, #tpu.memory_space<vmem>>
    tpu.enqueue_dma source(%dma_start3A_283 : memref<64x128xf32, #tpu.memory_space<vmem>>) target(%dma_start3A_280 : memref<64x128xf32, #tpu.memory_space<hbm>>) target_semaphore(%arg9 : memref<!tpu.dma_semaphore, #tpu.memory_space<semaphore_mem>>)
    %dma_wait3A_284 = arith.constant 0 : i32
    %dma_wait3A_285 = arith.constant 0 : i32
    %dma_wait3A_286 = tpu.memref_slice %arg6[%dma_wait3A_284, %dma_wait3A_285] : memref<512x128xf32, #tpu.memory_space<vmem>> -> memref<64x128xf32, #tpu.memory_space<vmem>>
    %dma_wait3A_287 = arith.constant 0 : i32
    %dma_wait3A_288 = tpu.memref_slice %arg4[%add3A_112, %dma_wait3A_287] : memref<16384x128xf32, #tpu.memory_space<hbm>> -> memref<64x128xf32, #tpu.memory_space<hbm>>
    %dma_wait3A_289 = arith.constant 0 : i32
    %dma_wait3A_290 = tpu.memref_slice %arg4[%add3A_112, %dma_wait3A_289] : memref<16384x128xf32, #tpu.memory_space<hbm>> -> memref<64x128xf32, #tpu.memory_space<hbm>>
    %dma_wait3A_291 = arith.constant 0 : i32
    %dma_wait3A_292 = arith.constant 0 : i32
    %dma_wait3A_293 = tpu.memref_slice %arg6[%dma_wait3A_291, %dma_wait3A_292] : memref<512x128xf32, #tpu.memory_space<vmem>> -> memref<64x128xf32, #tpu.memory_space<vmem>>
    tpu.wait_dma2 semaphore(%arg9 : memref<!tpu.dma_semaphore, #tpu.memory_space<semaphore_mem>>) src(%dma_wait3A_293 : memref<64x128xf32, #tpu.memory_space<vmem>>) dst(%dma_wait3A_290 : memref<64x128xf32, #tpu.memory_space<hbm>>)
    %dma_wait3A_294 = arith.constant 64 : i32
    %dma_wait3A_295 = arith.constant 0 : i32
    %dma_wait3A_296 = tpu.memref_slice %arg6[%dma_wait3A_294, %dma_wait3A_295] : memref<512x128xf32, #tpu.memory_space<vmem>> -> memref<64x128xf32, #tpu.memory_space<vmem>>
    %dma_wait3A_297 = arith.constant 0 : i32
    %dma_wait3A_298 = tpu.memref_slice %arg4[%add3A_135, %dma_wait3A_297] : memref<16384x128xf32, #tpu.memory_space<hbm>> -> memref<64x128xf32, #tpu.memory_space<hbm>>
    %dma_wait3A_299 = arith.constant 0 : i32
    %dma_wait3A_300 = tpu.memref_slice %arg4[%add3A_135, %dma_wait3A_299] : memref<16384x128xf32, #tpu.memory_space<hbm>> -> memref<64x128xf32, #tpu.memory_space<hbm>>
    %dma_wait3A_301 = arith.constant 64 : i32
    %dma_wait3A_302 = arith.constant 0 : i32
    %dma_wait3A_303 = tpu.memref_slice %arg6[%dma_wait3A_301, %dma_wait3A_302] : memref<512x128xf32, #tpu.memory_space<vmem>> -> memref<64x128xf32, #tpu.memory_space<vmem>>
    tpu.wait_dma2 semaphore(%arg9 : memref<!tpu.dma_semaphore, #tpu.memory_space<semaphore_mem>>) src(%dma_wait3A_303 : memref<64x128xf32, #tpu.memory_space<vmem>>) dst(%dma_wait3A_300 : memref<64x128xf32, #tpu.memory_space<hbm>>)
    %dma_wait3A_304 = arith.constant 128 : i32
    %dma_wait3A_305 = arith.constant 0 : i32
    %dma_wait3A_306 = tpu.memref_slice %arg6[%dma_wait3A_304, %dma_wait3A_305] : memref<512x128xf32, #tpu.memory_space<vmem>> -> memref<64x128xf32, #tpu.memory_space<vmem>>
    %dma_wait3A_307 = arith.constant 0 : i32
    %dma_wait3A_308 = tpu.memref_slice %arg4[%add3A_158, %dma_wait3A_307] : memref<16384x128xf32, #tpu.memory_space<hbm>> -> memref<64x128xf32, #tpu.memory_space<hbm>>
    %dma_wait3A_309 = arith.constant 0 : i32
    %dma_wait3A_310 = tpu.memref_slice %arg4[%add3A_158, %dma_wait3A_309] : memref<16384x128xf32, #tpu.memory_space<hbm>> -> memref<64x128xf32, #tpu.memory_space<hbm>>
    %dma_wait3A_311 = arith.constant 128 : i32
    %dma_wait3A_312 = arith.constant 0 : i32
    %dma_wait3A_313 = tpu.memref_slice %arg6[%dma_wait3A_311, %dma_wait3A_312] : memref<512x128xf32, #tpu.memory_space<vmem>> -> memref<64x128xf32, #tpu.memory_space<vmem>>
    tpu.wait_dma2 semaphore(%arg9 : memref<!tpu.dma_semaphore, #tpu.memory_space<semaphore_mem>>) src(%dma_wait3A_313 : memref<64x128xf32, #tpu.memory_space<vmem>>) dst(%dma_wait3A_310 : memref<64x128xf32, #tpu.memory_space<hbm>>)
    %dma_wait3A_314 = arith.constant 192 : i32
    %dma_wait3A_315 = arith.constant 0 : i32
    %dma_wait3A_316 = tpu.memref_slice %arg6[%dma_wait3A_314, %dma_wait3A_315] : memref<512x128xf32, #tpu.memory_space<vmem>> -> memref<64x128xf32, #tpu.memory_space<vmem>>
    %dma_wait3A_317 = arith.constant 0 : i32
    %dma_wait3A_318 = tpu.memref_slice %arg4[%add3A_181, %dma_wait3A_317] : memref<16384x128xf32, #tpu.memory_space<hbm>> -> memref<64x128xf32, #tpu.memory_space<hbm>>
    %dma_wait3A_319 = arith.constant 0 : i32
    %dma_wait3A_320 = tpu.memref_slice %arg4[%add3A_181, %dma_wait3A_319] : memref<16384x128xf32, #tpu.memory_space<hbm>> -> memref<64x128xf32, #tpu.memory_space<hbm>>
    %dma_wait3A_321 = arith.constant 192 : i32
    %dma_wait3A_322 = arith.constant 0 : i32
    %dma_wait3A_323 = tpu.memref_slice %arg6[%dma_wait3A_321, %dma_wait3A_322] : memref<512x128xf32, #tpu.memory_space<vmem>> -> memref<64x128xf32, #tpu.memory_space<vmem>>
    tpu.wait_dma2 semaphore(%arg9 : memref<!tpu.dma_semaphore, #tpu.memory_space<semaphore_mem>>) src(%dma_wait3A_323 : memref<64x128xf32, #tpu.memory_space<vmem>>) dst(%dma_wait3A_320 : memref<64x128xf32, #tpu.memory_space<hbm>>)
    %dma_wait3A_324 = arith.constant 256 : i32
    %dma_wait3A_325 = arith.constant 0 : i32
    %dma_wait3A_326 = tpu.memref_slice %arg6[%dma_wait3A_324, %dma_wait3A_325] : memref<512x128xf32, #tpu.memory_space<vmem>> -> memref<64x128xf32, #tpu.memory_space<vmem>>
    %dma_wait3A_327 = arith.constant 0 : i32
    %dma_wait3A_328 = tpu.memref_slice %arg4[%add3A_204, %dma_wait3A_327] : memref<16384x128xf32, #tpu.memory_space<hbm>> -> memref<64x128xf32, #tpu.memory_space<hbm>>
    %dma_wait3A_329 = arith.constant 0 : i32
    %dma_wait3A_330 = tpu.memref_slice %arg4[%add3A_204, %dma_wait3A_329] : memref<16384x128xf32, #tpu.memory_space<hbm>> -> memref<64x128xf32, #tpu.memory_space<hbm>>
    %dma_wait3A_331 = arith.constant 256 : i32
    %dma_wait3A_332 = arith.constant 0 : i32
    %dma_wait3A_333 = tpu.memref_slice %arg6[%dma_wait3A_331, %dma_wait3A_332] : memref<512x128xf32, #tpu.memory_space<vmem>> -> memref<64x128xf32, #tpu.memory_space<vmem>>
    tpu.wait_dma2 semaphore(%arg9 : memref<!tpu.dma_semaphore, #tpu.memory_space<semaphore_mem>>) src(%dma_wait3A_333 : memref<64x128xf32, #tpu.memory_space<vmem>>) dst(%dma_wait3A_330 : memref<64x128xf32, #tpu.memory_space<hbm>>)
    %dma_wait3A_334 = arith.constant 320 : i32
    %dma_wait3A_335 = arith.constant 0 : i32
    %dma_wait3A_336 = tpu.memref_slice %arg6[%dma_wait3A_334, %dma_wait3A_335] : memref<512x128xf32, #tpu.memory_space<vmem>> -> memref<64x128xf32, #tpu.memory_space<vmem>>
    %dma_wait3A_337 = arith.constant 0 : i32
    %dma_wait3A_338 = tpu.memref_slice %arg4[%add3A_227, %dma_wait3A_337] : memref<16384x128xf32, #tpu.memory_space<hbm>> -> memref<64x128xf32, #tpu.memory_space<hbm>>
    %dma_wait3A_339 = arith.constant 0 : i32
    %dma_wait3A_340 = tpu.memref_slice %arg4[%add3A_227, %dma_wait3A_339] : memref<16384x128xf32, #tpu.memory_space<hbm>> -> memref<64x128xf32, #tpu.memory_space<hbm>>
    %dma_wait3A_341 = arith.constant 320 : i32
    %dma_wait3A_342 = arith.constant 0 : i32
    %dma_wait3A_343 = tpu.memref_slice %arg6[%dma_wait3A_341, %dma_wait3A_342] : memref<512x128xf32, #tpu.memory_space<vmem>> -> memref<64x128xf32, #tpu.memory_space<vmem>>
    tpu.wait_dma2 semaphore(%arg9 : memref<!tpu.dma_semaphore, #tpu.memory_space<semaphore_mem>>) src(%dma_wait3A_343 : memref<64x128xf32, #tpu.memory_space<vmem>>) dst(%dma_wait3A_340 : memref<64x128xf32, #tpu.memory_space<hbm>>)
    %dma_wait3A_344 = arith.constant 384 : i32
    %dma_wait3A_345 = arith.constant 0 : i32
    %dma_wait3A_346 = tpu.memref_slice %arg6[%dma_wait3A_344, %dma_wait3A_345] : memref<512x128xf32, #tpu.memory_space<vmem>> -> memref<64x128xf32, #tpu.memory_space<vmem>>
    %dma_wait3A_347 = arith.constant 0 : i32
    %dma_wait3A_348 = tpu.memref_slice %arg4[%add3A_250, %dma_wait3A_347] : memref<16384x128xf32, #tpu.memory_space<hbm>> -> memref<64x128xf32, #tpu.memory_space<hbm>>
    %dma_wait3A_349 = arith.constant 0 : i32
    %dma_wait3A_350 = tpu.memref_slice %arg4[%add3A_250, %dma_wait3A_349] : memref<16384x128xf32, #tpu.memory_space<hbm>> -> memref<64x128xf32, #tpu.memory_space<hbm>>
    %dma_wait3A_351 = arith.constant 384 : i32
    %dma_wait3A_352 = arith.constant 0 : i32
    %dma_wait3A_353 = tpu.memref_slice %arg6[%dma_wait3A_351, %dma_wait3A_352] : memref<512x128xf32, #tpu.memory_space<vmem>> -> memref<64x128xf32, #tpu.memory_space<vmem>>
    tpu.wait_dma2 semaphore(%arg9 : memref<!tpu.dma_semaphore, #tpu.memory_space<semaphore_mem>>) src(%dma_wait3A_353 : memref<64x128xf32, #tpu.memory_space<vmem>>) dst(%dma_wait3A_350 : memref<64x128xf32, #tpu.memory_space<hbm>>)
    %dma_wait3A_354 = arith.constant 448 : i32
    %dma_wait3A_355 = arith.constant 0 : i32
    %dma_wait3A_356 = tpu.memref_slice %arg6[%dma_wait3A_354, %dma_wait3A_355] : memref<512x128xf32, #tpu.memory_space<vmem>> -> memref<64x128xf32, #tpu.memory_space<vmem>>
    %dma_wait3A_357 = arith.constant 0 : i32
    %dma_wait3A_358 = tpu.memref_slice %arg4[%add3A_273, %dma_wait3A_357] : memref<16384x128xf32, #tpu.memory_space<hbm>> -> memref<64x128xf32, #tpu.memory_space<hbm>>
    %dma_wait3A_359 = arith.constant 0 : i32
    %dma_wait3A_360 = tpu.memref_slice %arg4[%add3A_273, %dma_wait3A_359] : memref<16384x128xf32, #tpu.memory_space<hbm>> -> memref<64x128xf32, #tpu.memory_space<hbm>>
    %dma_wait3A_361 = arith.constant 448 : i32
    %dma_wait3A_362 = arith.constant 0 : i32
    %dma_wait3A_363 = tpu.memref_slice %arg6[%dma_wait3A_361, %dma_wait3A_362] : memref<512x128xf32, #tpu.memory_space<vmem>> -> memref<64x128xf32, #tpu.memory_space<vmem>>
    tpu.wait_dma2 semaphore(%arg9 : memref<!tpu.dma_semaphore, #tpu.memory_space<semaphore_mem>>) src(%dma_wait3A_363 : memref<64x128xf32, #tpu.memory_space<vmem>>) dst(%dma_wait3A_360 : memref<64x128xf32, #tpu.memory_space<hbm>>)
    return
  }
}

</mosaic_0001>

<sc_bundles>
// kernel: kernel.3.cloned.1.call-start
scs
__scs_entry_jumppad:
0x0: {  	(pc) =	sbr.rel $0x88, $3  }
0x1: {  	(tag) =	ssettag $0x0;
	lr =	simm.s32 $0x1  }
0x2: {  	[smem:$0x3F9F] =	sst lr;
	_ =	strace $0xD0000000  }
0x3: {  	_ = 	snop  }
0x4: {  	_ = 	snop  }
0x5: {  	_ = 	snop  }
0x6: {  	_ = 	snop  }
0x7: {  	_ = 	snop  }
__scs_overlays_trampoline_lowered:
0x8: {  	[smem:$0x3FAE] =	sst s0  }
0x9: {  	[smem:$0x3FAF] =	sst s1  }
0xa: {  	[smem:$0x3FB0] =	sst s2  }
0xb: {  	[smem:$0x3FB1] =	sst s3  }
0xc: {  	[smem:$0x3FB2] =	sst s4  }
0xd: {  	[smem:$0x3FB3] =	sst s5  }
0xe: {  	[smem:$0x3FB4] =	sst s6  }
0xf: {  	[smem:$0x3FB5] =	sst s7  }
0x10: {  	[smem:$0x3FB6] =	sst s8  }
0x11: {  	[smem:$0x3FB7] =	sst s9;
	s0 =	simm.s32 @!p0 $0x0  }
0x12: {  	s1 =	sld [smem:$0x3F9D];
	s0 =	simm.s32 @p0 $0x1  }
0x13: {  	[smem:$0x3FB8] =	sst s0;
	s0 =	simm.s32 @!p1 $0x0  }
0x14: {  	s2 =	sld [smem:$0x3F9C];
	s0 =	simm.s32 @p1 $0x1  }
0x15: {  	[smem:$0x3FB9] =	sst s0;
	s0 =	simm.s32 @!p2 $0x0  }
0x16: {  	s3 =	sld [smem:$0x3FDB];
	s0 =	simm.s32 @p2 $0x1  }
0x17: {  	s4 =	simm.s32 $0x1BF5;
	[smem:$0x3FBB] =	sst s0  }
0x18: {  	s0 =	sld [smem:$0x3F9E];
	_ =	swait.ge [sflag:s4], $0x0  }
0x19: {  	s7 =	sld [smem:$0x3F9F]  }
0x1a: {  	s8 =	sadd.s32 $0xFFFFE003, lr  }
0x1b: {  	s9 =	sadd.s32 $0xFFFFFEF7, lr;
	s5 =	simm.s32 $0xFFFFFFFF;
	p2 =	slt.u32 s8, $0xFFFFF086  }
0x1c: {  	p1 =	slt.u32 s9, $0xF7A;
	s5 =	simm.s32 @!p2 $0x0  }
0x1d: {  	s5 =	simm.s32 @p1 $0x1;
	p0 =	seq.s32 s7, s2  }
0x1e: {  	s7 =	smul.u32 @!p0 $0xF7A, s2;
	p2 =	seq.s32 @!p0 s5, $0x0  }
0x1f: {  	s9 =	smul.u32 $0xF7A, s1;
	s8 =	simm.s32 @!p0 $0x1BF5;
	p2 =	por !p2, p0  }
0x20: {  	[sflag:s8] =	ssyncset.s32 @!p0 $0xFFFFF086;
	s6 =	sadd.s32 @!p0 s3, s7;
	s7 =	simm.s32 @!p0 $0x108  }
0x21: {  	s3 =	sadd.s32 s3, s9;
	s6 =	sadd.s32 @!p0 $0x88, s6;
	s7 =	simm.s32 @p2 $0x1082  }
0x22: {  	[simem:s7], [sflag:s8] =	dma.local @!p0 [hbm:s6], $0xF7A  }
0x23: {  	s9 =	sor.u32 $0xD0000000, s2;
	s6 =	simm.s32 $0x108;
	_ =	swait.ge @!p0 [sflag:s8], $0x0  }
0x24: {  	s3 =	sadd.s32 $0x88, s3;
	s6 =	simm.s32 @!p1 $0x1082;
	[sflag:s4] =	ssyncset.s32 $0xFFFFF086  }
0x25: {  	[simem:s6], [sflag:s4] =	dma.local [hbm:s3], $0xF7A  }
0x26: {  	[smem:$0x3F9F] =	sst s1;
	(tag) =	ssettag s2;
	_ =	strace s9  }
0x27: {  	s1 =	sld [smem:$0x3FAF]  }
0x28: {  	s2 =	sld [smem:$0x3FB0]  }
0x29: {  	s4 =	sld [smem:$0x3FB2]  }
0x2a: {  	p0 =	seq.s32 s5, $0x0;
	s5 =	sld [smem:$0x3FB3]  }
0x2b: {  	s6 =	sld [smem:$0x3FB4]  }
0x2c: {  	s7 =	sld [smem:$0x3FB5]  }
0x2d: {  	s3 =	simm.s32 $0x108;
	s8 =	sld [smem:$0x3FB6]  }
0x2e: {  	s3 =	simm.s32 @!p0 $0x1082;
	s9 =	sld [smem:$0x3FB7]  }
0x2f: {  	lr =	sadd.s32 s0, s3;
	s0 =	sld [smem:$0x3FAE]  }
0x30: {  	s3 =	sld [smem:$0x3FB1]  }
0x31: {  	[smem:$0x3FBA] =	sst s10  }
0x32: {  	s10 =	sld [smem:$0x3FB8];
	_ =	sdelay $0x3  }
0x33: {  	p0 =	seq.s32 s10, $0x1;
	s10 =	sld [smem:$0x3FBA];
	_ =	sdelay $0x3  }
0x34: {  	[smem:$0x3FBA] =	sst s10  }
0x35: {  	s10 =	sld [smem:$0x3FB9];
	_ =	sdelay $0x3  }
0x36: {  	p1 =	seq.s32 s10, $0x1;
	s10 =	sld [smem:$0x3FBA];
	_ =	sdelay $0x3  }
0x37: {  	[smem:$0x3FBA] =	sst s10  }
0x38: {  	s10 =	sld [smem:$0x3FBB]  }
0x39: {  	_ = 	snop;
	(pc) =	sbr.ind lr, $3  }
0x3a: {  	_ = 	snop  }
0x3b: {  	_ = 	snop  }
0x3c: {  	p2 =	seq.s32 s10, $0x1;
	s10 =	sld [smem:$0x3FBA]  }
0x3d: {  	_ =	shalt  }
0x3e: {  	_ =	shalt  }
0x3f: {  	_ =	shalt  }
0x40: {  	_ =	shalt  }
0x41: {  	_ =	shalt  }
0x42: {  	_ =	shalt  }
0x43: {  	_ =	shalt  }
0x44: {  	_ =	shalt  }
0x45: {  	_ =	shalt  }
0x46: {  	_ =	shalt  }
0x47: {  	_ =	shalt  }
0x48: {  	_ =	shalt  }
0x49: {  	_ =	shalt  }
0x4a: {  	_ =	shalt  }
0x4b: {  	_ =	shalt  }
0x4c: {  	_ =	shalt  }
0x4d: {  	_ =	shalt  }
0x4e: {  	_ =	shalt  }
0x4f: {  	_ =	shalt  }
0x50: {  	_ =	shalt  }
0x51: {  	_ =	shalt  }
0x52: {  	_ =	shalt  }
0x53: {  	_ =	shalt  }
0x54: {  	_ =	shalt  }
0x55: {  	_ =	shalt  }
0x56: {  	_ =	shalt  }
0x57: {  	_ =	shalt  }
0x58: {  	_ =	shalt  }
0x59: {  	_ =	shalt  }
0x5a: {  	_ =	shalt  }
0x5b: {  	_ =	shalt  }
0x5c: {  	_ =	shalt  }
0x5d: {  	_ =	shalt  }
0x5e: {  	_ =	shalt  }
0x5f: {  	_ =	shalt  }
0x60: {  	_ =	shalt  }
0x61: {  	_ =	shalt  }
0x62: {  	_ =	shalt  }
0x63: {  	_ =	shalt  }
0x64: {  	_ =	shalt  }
0x65: {  	_ =	shalt  }
0x66: {  	_ =	shalt  }
0x67: {  	_ =	shalt  }
0x68: {  	_ =	shalt  }
0x69: {  	_ =	shalt  }
0x6a: {  	_ =	shalt  }
0x6b: {  	_ =	shalt  }
0x6c: {  	_ =	shalt  }
0x6d: {  	_ =	shalt  }
0x6e: {  	_ =	shalt  }
0x6f: {  	_ =	shalt  }
0x70: {  	_ =	shalt  }
0x71: {  	_ =	shalt  }
0x72: {  	_ =	shalt  }
0x73: {  	_ =	shalt  }
0x74: {  	_ =	shalt  }
0x75: {  	_ =	shalt  }
0x76: {  	_ =	shalt  }
0x77: {  	_ =	shalt  }
0x78: {  	_ =	shalt  }
0x79: {  	_ =	shalt  }
0x7a: {  	_ =	shalt  }
0x7b: {  	_ =	shalt  }
0x7c: {  	_ =	shalt  }
0x7d: {  	_ =	shalt  }
0x7e: {  	_ =	shalt  }
0x7f: {  	_ =	shalt  }
0x80: {  	_ =	shalt  }
0x81: {  	_ =	shalt  }
0x82: {  	_ =	shalt  }
0x83: {  	_ =	shalt  }
0x84: {  	_ =	shalt  }
0x85: {  	_ =	shalt  }
0x86: {  	_ =	shalt  }
0x87: {  	_ =	shalt  }
.Lfunc_end0:
.L_simem_size_0:
called_computation_lowered:
.L_overlay_start_0:
0x88: {  	s2 =	sld [smem:$0x3FD9]  }
0x89: {  	s3 =	sld [smem:$0x3FFE];
	_ =	sdelay $0x1  }
0x8a: {  	s1 =	srdreg.scid  }
0x8b: {  	s0 =	sand.u32 $0x1, s1  }
0x8c: {  	s18 =	sshll.u32 s0, $0xA;
	s2 =	sadd.s32 s3, s2  }
0x8d: {  	s2 =	sadd.s32 s2, s18  }
0x8e: {  	[smem:$0x3FC6] =	sst s2  }
0x8f: {  	_ = 	snop  }
0x90: {  	s2 =	sld [smem:$0x3FC9]  }
0x91: {  	s19 =	sld [smem:$0x3FC8]  }
0x92: {  	s4 =	sld [smem:$0x3FD0];
	(tm) =	ssettm $0x1  }
0x93: {  	s5 =	sld [smem:$0x3FFB];
	_ =	sdelay $0x3  }
0x94: {  	_ =	strace s5  }
0x95: {  	s5 =	sld [smem:$0x3FFC];
	_ =	sdelay $0x3  }
0x96: {  	_ =	strace s5  }
0x97: {  	s5 =	sld [smem:$0x3FFD];
	_ =	sdelay $0x3  }
0x98: {  	_ =	strace s5  }
0x99: {  	_ =	strace $0x8FFFFFFF  }
0x9a: {  	s20 =	sld [smem:$0x3FDB];
	_ =	sdelay $0x1  }
0x9b: {  	s6 =	simm.s32 $_scs_section_size  }
0x9c: {  	s7 =	simm.s32 $_size__tile_overlayer_lowered;
	s8 =	simm.s32 $_tile_overlayer_lowered  }
0x9d: {  	s23 =	simm.s32 $0x1BFF;
	s22 =	sshll.u32 s8, $0x1;
	s5 =	sadd.s32 s6, s20  }
0x9e: {  	s9 =	simm.s32 $0x0;
	s21 =	sshll.u32 s7, $0x1;
	s7 =	sadd.s32 s22, s5  }
0x9f: {  	[timem:s9], [sflag:s23] =	dma.local [hbm:s7], s21  }
0xa0: {  	_ =	swait.ge [sflag:s23], s21  }
0xa1: {  	s6 =	ssub.s32 $0x0, s21;
	[sflag:s23] =	ssyncset.done $0x0  }
0xa2: {  	[sflag:s23] =	ssyncadd.s32 s6;
	_ =	sdelay $0x1  }
0xa3: {  	s24 =	simm.s32 $0x1B8B  }
0xa4: {  	_ =	swait.ge [sflag:s24], $0x1  }
0xa5: {  	[sflag:s24] =	ssyncset.done $0x0  }
0xa6: {  	s25 =	simm.s32 $0x1B8E;
	[sflag:s24] =	ssyncadd.s32 $0xFFFFFFFF  }
0xa7: {  	s26 =	simm.s32 $execute0_lowered;
	[smem:$0x3FD2] =	sst s25  }
0xa8: {  	s6 =	sshll.u32 s26, $0x1;
	_ =	strace $0x80000046;
	[dreg:$0x1] =	wrdreg $0xFFFFFFFF  }
0xa9: {  	s28 =	simm.s32 $_size_execute0_lowered;
	s5 =	sadd.s32 s5, s6;
	[dreg:$0x0] =	wrdreg $0x0  }
0xaa: {  	s6 =	sshll.u32 s28, $0x1;
	[dreg:$0x2] =	wrdreg s5  }
0xab: {  	[dreg:$0x3] =	wrdreg s6  }
0xac: {  	[dreg:$0x4] =	wrdreg $0xC0  }
0xad: {  	_ =	task [dreg:s9], $0x5FFFF  }
0xae: {  	[dreg:$0x1] =	wrdreg $0xFFFFFFFF  }
0xaf: {  	[dreg:$0x0] =	wrdreg $0x60  }
0xb0: {  	[dreg:$0x2] =	wrdreg s2  }
0xb1: {  	[dreg:$0x3] =	wrdreg s19  }
0xb2: {  	[dreg:$0x4] =	wrdreg s4  }
0xb3: {  	[dreg:$0x5] =	wrdreg $0x102000  }
0xb4: {  	[dreg:$0x6] =	wrdreg $0x9  }
0xb5: {  	_ =	task.clear_ibuf [dreg:s9], $0x7FFFF;
	_ =	strace $0x90000046  }
0xb6: {  	s29 =	simm.s32 $0x9;
	_ =	strace $0x80000048  }
0xb7: {  	_ =	swait.ge [sflag:s29], $0x1  }
0xb8: {  	[sflag:s29] =	ssyncadd.s32 $0xFFFFFFFF  }
0xb9: {  	_ =	strace $0x90000048  }
0xba: {  	_ =	sfence  }
0xbb: {  	s30 =	sld [smem:$0x0];
	_ =	sdelay $0x2  }
0xbc: {  	s31 =	sshll.u32 s1, $0xD;
	s1 =	sshrl.u32 s1, $0x2  }
0xbd: {  	s3 =	sand.u32 $0x4000, s31;
	s1 =	sadd.s32 s1, s30  }
0xbe: {  	s0 =	sor.u32 s3, s0;
	s1 =	sshll.u32 s1, $0x11  }
0xbf: {  	s0 =	sor.u32 s1, s0  }
0xc0: {  	s0 =	sadd.s32 $0x8F2B, s0  }
0xc1: {  	[sflag:s0] =	ssyncadd.remote.s32 $0x1  }
0xc2: {  	_ =	sfence.sel $0xFFFF  }
0xc3: {  	[dreg:$0x0] =	wrdreg $0xFFFFFFFF;
	(pc) =	sbr.abs _section_cstart, $3  }
0xc4: {  	[dreg:$0x1] =	wrdreg $0xFFFFFFFF  }
0xc5: {  	_ =	task.clear_ibuf [dreg:s9], $0x2FFFF;
	_ =	strace $0x9FFFFFFF  }
0xc6: {  	(tm) =	ssettm $0x7FFFFFFF  }
0xc7: {  	_ =	shalt  }
tec
execute0_lowered:
.L_overlay_start_1:
0x0: {  	(tag) =	ssettag $0x1  }
0x1: {  	s5 =	rddreg [dreg:$0x0]  }
0x2: {  	s2 =	rddreg [dreg:$0x1]  }
0x3: {  	s6 =	rddreg [dreg:$0x2]  }
0x4: {  	s3 =	rddreg [dreg:$0x3];
	s1 =	stileid.u32;
	s4 =	simm.s32 $0x0  }
0x5: {  	s0 =	srdreg.scid;
	s7 =	sshll.u32 s1, $0x6;
	[smem:$0x7FF] =	sst s4  }
0x6: {  	s0 =	sand.u32 $0x1, s0;
	s10 =	sshll.u32 s1, $0xA;
	s1 =	simm.s32 $0x80  }
0x7: {  	s8 =	smin.u32 s7, $0x3A8;
	_ =	strace $0x80000047;
	s11 =	sshll.u32 s0, $0x9  }
0x8: {  	s7 =	sor.u32 $0x1C0A, s7;
	[dreg:$0x10] =	wrdreg s1;
	s9 =	sshll.u32 s8, $0x4  }
0x9: {  	s10 =	sor.u32 s11, s10;
	[dreg:$0x6] =	wrdreg s7;
	s20 =	sshll.u32 s8, $0x7  }
0xa: {  	s9 =	sadd.s32 s2, s9;
	s15 =	sshrl.u32 s10, $0x3;
	s24 =	rddreg [dreg:$0x6]  }
0xb: {  	s7 =	sadd.s32 s20, s3;
	[dreg:$0x5] =	wrdreg s9;
	s16 =	sadd.s32 s5, s15  }
0xc: {  	s10 =	sshll.u32 s10, $0x4;
	s23 =	sshrl.u32 s7, $0x3;
	[dreg:$0x7] =	wrdreg s16  }
0xd: {  	s5 =	sadd.s32 s6, s10;
	[dreg:$0xf] =	wrdreg s23  }
0xe: {  	s6 =	sadd.s32 $0x400, s5;
	s26 =	rddreg [dreg:$0x5]  }
0xf: {  	s17 =	sadd.s32 $0x800, s5;
	[dreg:$0x8] =	wrdreg s6  }
0x10: {  	s18 =	sadd.s32 $0xC00, s5;
	[dreg:$0x9] =	wrdreg s17  }
0x11: {  	s19 =	sadd.s32 $0x1000, s5;
	[dreg:$0xa] =	wrdreg s18  }
0x12: {  	s21 =	sadd.s32 $0x1400, s5;
	[dreg:$0xb] =	wrdreg s19  }
0x13: {  	s22 =	sadd.s32 $0x1800, s5;
	[dreg:$0xc] =	wrdreg s21  }
0x14: {  	[dreg:$0xd] =	wrdreg s22  }
0x15: {  	s25 =	sadd.s32 $0x1C00, s5;
	s6 =	rddreg [dreg:$0xf]  }
0x16: {  	[dreg:$0xe] =	wrdreg s25  }
0x17: {  	[spmem:s6], [sflag:s24] =	dma.local [hbm:s26], $0x400  }
0x18: {  	s6 =	simm.s32 $0xB;
	s7 =	rddreg [dreg:$0x7]  }
0x19: {  	[tilespmem:s4], [sflag:$0xB] =	stream.linear.gather [hbm4b:s7+s4], $0x200, $0x38;
	[tilespmem:$0x12140] =	vst v63  }
0x1a: {  	_ =	swait.ge [sflag:s6], $0x200  }
0x1b: {  	s8 =	simm.s32 $0x200;
	[sflag:s6] =	ssyncset.done $0x0  }
0x1c: {  	s9 =	simm.s32 $0xA;
	s7 =	simm.s32 $0x40;
	[sflag:s6] =	ssyncadd.s32 $0xFFFFFE00  }
0x1d: {  	[tilespmem:s8], [sflag:$0x1] =	stream.indirect.gather [hbm4b:s2+s7], $0x80, s4, s7, $0xb8;
	[tilespmem:$0x12140] =	vst v63  }
0x1e: {  	_ =	swait.ge [sflag:s9], $0x400  }
0x1f: {  	[sflag:s9] =	ssyncset.done $0x0  }
0x20: {  	[sflag:s9] =	ssyncadd.s32 $0xFFFFFC00  }
0x21: {  	s10 =	simm.s32 $0x2200;
	[bflag:$0x0] =	sbarrier.arrive $0xFFFF  }
0x22: {  	[tilespmem:s10], [sflag:$0x2] =	stream.indirect.gather [spmem:s3], $0x80, s7, s7, $0xb8;
	[tilespmem:$0x12140] =	vst v63  }
0x23: {  	s11 =	simm.s32 $0x4200;
	s12 =	rddreg [dreg:$0x10]  }
0x24: {  	[tilespmem:s11], [sflag:$0x3] =	stream.indirect.gather [spmem:s3], $0x80, s12, s7, $0xb8;
	[tilespmem:$0x12140] =	vst v63  }
0x25: {  	s13 =	simm.s32 $0x6200;
	s2 =	simm.s32 $0xC0  }
0x26: {  	[tilespmem:s13], [sflag:$0x4] =	stream.indirect.gather [spmem:s3], $0x80, s2, s7, $0xb8;
	[tilespmem:$0x12140] =	vst v63  }
0x27: {  	s14 =	simm.s32 $0x100;
	s15 =	simm.s32 $0x8200  }
0x28: {  	[tilespmem:s15], [sflag:$0x5] =	stream.indirect.gather [spmem:s3], $0x80, s14, s7, $0xb8;
	[tilespmem:$0x12140] =	vst v63  }
0x29: {  	s16 =	simm.s32 $0x140;
	s17 =	simm.s32 $0xA200  }
0x2a: {  	[tilespmem:s17], [sflag:$0x6] =	stream.indirect.gather [spmem:s3], $0x80, s16, s7, $0xb8;
	[tilespmem:$0x12140] =	vst v63  }
0x2b: {  	s18 =	simm.s32 $0x180;
	s19 =	simm.s32 $0xC200  }
0x2c: {  	[tilespmem:s19], [sflag:$0x7] =	stream.indirect.gather [spmem:s3], $0x80, s18, s7, $0xb8;
	[tilespmem:$0x12140] =	vst v63  }
0x2d: {  	s20 =	simm.s32 $0x1C0;
	s21 =	simm.s32 $0xE200;
	s22 =	simm.s32 $0x1  }
0x2e: {  	[tilespmem:s21], [sflag:$0x8] =	stream.indirect.gather [spmem:s3], $0x80, s20, s7, $0xb8;
	[tilespmem:$0x12140] =	vst v63  }
0x2f: {  	_ =	swait.ge [sflag:s22], $0x2000  }
0x30: {  	[sflag:s22] =	ssyncset.done $0x0  }
0x31: {  	s23 =	simm.s32 $0x2;
	[sflag:s22] =	ssyncadd.s32 $0xFFFFE000  }
0x32: {  	[hbm4b:s5+s4] =	stream.linear.scatter [tilespmem:s8], [sflag:$0x9], $0x2000, $0x38;
	[tilespmem:$0x12140] =	vst v63  }
0x33: {  	_ =	swait.ge [sflag:s23], $0x2000  }
0x34: {  	[sflag:s23] =	ssyncset.done $0x0  }
0x35: {  	s24 =	rddreg [dreg:$0x8];
	[sflag:s23] =	ssyncadd.s32 $0xFFFFE000  }
0x36: {  	[hbm4b:s24+s4] =	stream.linear.scatter [tilespmem:s10], [sflag:$0x9], $0x2000, $0x38;
	[tilespmem:$0x12140] =	vst v63  }
0x37: {  	s24 =	simm.s32 $0x3  }
0x38: {  	_ =	swait.ge [sflag:s24], $0x2000  }
0x39: {  	[sflag:s24] =	ssyncset.done $0x0  }
0x3a: {  	s25 =	rddreg [dreg:$0x9];
	[sflag:s24] =	ssyncadd.s32 $0xFFFFE000  }
0x3b: {  	[hbm4b:s25+s4] =	stream.linear.scatter [tilespmem:s11], [sflag:$0x9], $0x2000, $0x38;
	[tilespmem:$0x12140] =	vst v63  }
0x3c: {  	s25 =	simm.s32 $0x4  }
0x3d: {  	_ =	swait.ge [sflag:s25], $0x2000  }
0x3e: {  	[sflag:s25] =	ssyncset.done $0x0  }
0x3f: {  	s26 =	rddreg [dreg:$0xa];
	[sflag:s25] =	ssyncadd.s32 $0xFFFFE000  }
0x40: {  	[hbm4b:s26+s4] =	stream.linear.scatter [tilespmem:s13], [sflag:$0x9], $0x2000, $0x38;
	[tilespmem:$0x12140] =	vst v63  }
0x41: {  	s26 =	simm.s32 $0x5  }
0x42: {  	_ =	swait.ge [sflag:s26], $0x2000  }
0x43: {  	[sflag:s26] =	ssyncset.done $0x0  }
0x44: {  	s28 =	rddreg [dreg:$0xb];
	[sflag:s26] =	ssyncadd.s32 $0xFFFFE000  }
0x45: {  	[hbm4b:s28+s4] =	stream.linear.scatter [tilespmem:s15], [sflag:$0x9], $0x2000, $0x38;
	[tilespmem:$0x12140] =	vst v63  }
0x46: {  	s28 =	simm.s32 $0x6  }
0x47: {  	_ =	swait.ge [sflag:s28], $0x2000  }
0x48: {  	[sflag:s28] =	ssyncset.done $0x0  }
0x49: {  	s29 =	rddreg [dreg:$0xc];
	[sflag:s28] =	ssyncadd.s32 $0xFFFFE000  }
0x4a: {  	[hbm4b:s29+s4] =	stream.linear.scatter [tilespmem:s17], [sflag:$0x9], $0x2000, $0x38;
	[tilespmem:$0x12140] =	vst v63  }
0x4b: {  	s29 =	simm.s32 $0x7  }
0x4c: {  	_ =	swait.ge [sflag:s29], $0x2000  }
0x4d: {  	[sflag:s29] =	ssyncset.done $0x0  }
0x4e: {  	s30 =	rddreg [dreg:$0xd];
	[sflag:s29] =	ssyncadd.s32 $0xFFFFE000  }
0x4f: {  	[hbm4b:s30+s4] =	stream.linear.scatter [tilespmem:s19], [sflag:$0x9], $0x2000, $0x38;
	[tilespmem:$0x12140] =	vst v63  }
0x50: {  	s30 =	simm.s32 $0x8  }
0x51: {  	_ =	swait.ge [sflag:s30], $0x2000  }
0x52: {  	[sflag:s30] =	ssyncset.done $0x0  }
0x53: {  	s31 =	rddreg [dreg:$0xe];
	[sflag:s30] =	ssyncadd.s32 $0xFFFFE000  }
0x54: {  	[hbm4b:s31+s4] =	stream.linear.scatter [tilespmem:s21], [sflag:$0x9], $0x2000, $0x38;
	[tilespmem:$0x12140] =	vst v63  }
0x55: {  	s31 =	simm.s32 $0x9  }
0x56: {  	_ =	swait.ge [sflag:s31], $0x2000  }
0x57: {  	[sflag:s31] =	ssyncset.done $0x0  }
0x58: {  	[sflag:s31] =	ssyncadd.s32 $0xFFFFE000  }
0x59: {  	_ =	swait.ge [sflag:s31], $0x2000  }
0x5a: {  	[sflag:s31] =	ssyncset.done $0x0  }
0x5b: {  	[sflag:s31] =	ssyncadd.s32 $0xFFFFE000  }
0x5c: {  	_ =	swait.ge [sflag:s31], $0x2000  }
0x5d: {  	[sflag:s31] =	ssyncset.done $0x0  }
0x5e: {  	[sflag:s31] =	ssyncadd.s32 $0xFFFFE000  }
0x5f: {  	_ =	swait.ge [sflag:s31], $0x2000  }
0x60: {  	[sflag:s31] =	ssyncset.done $0x0  }
0x61: {  	[sflag:s31] =	ssyncadd.s32 $0xFFFFE000  }
0x62: {  	s0 =	ssub.s32 $0x2, s0;
	_ =	swait.ge [sflag:s31], $0x2000  }
0x63: {  	s12 =	sshrl.u32 s0, $0x1;
	[sflag:s31] =	ssyncset.done $0x0  }
0x64: {  	s0 =	ssub.s32 s0, s12;
	[sflag:s31] =	ssyncadd.s32 $0xFFFFE000  }
0x65: {  	s0 =	smax.u32 s0, $0x1;
	_ =	swait.ge [sflag:s31], $0x2000  }
0x66: {  	p0 =	sne.s32 s0, $0x1;
	[sflag:s31] =	ssyncset.done $0x0  }
.Ltmp0:
0x67: {  	[sflag:s31] =	ssyncadd.s32 $0xFFFFE000;
	(pc) =	sbr.rel @!p0 .LBB2_2-.Ltmp0, $4  }
0x68: {  	_ =	swait.ge [sflag:s31], $0x2000  }
0x69: {  	[sflag:s31] =	ssyncset.done $0x0  }
0x6a: {  	[sflag:s31] =	ssyncadd.s32 $0xFFFFE000  }
0x6b: {  	s0 =	sadd.s32 $0xFFFFFFFF, s0;
	_ =	swait.ge [sflag:s31], $0x2000  }
.LBB2_1:
0x6c: {  	s1 =	rddreg [dreg:$0xf]  }
0x6d: {  	[sflag:s31] =	ssyncset.done $0x0;
	s2 =	rddreg [dreg:$0x6]  }
0x6e: {  	s12 =	rddreg [dreg:$0x5];
	[sflag:s31] =	ssyncadd.s32 $0xFFFFE000  }
0x6f: {  	[spmem:s1], [sflag:s2] =	dma.local [hbm:s12], $0x400  }
0x70: {  	s1 =	rddreg [dreg:$0x7]  }
0x71: {  	[tilespmem:s4], [sflag:$0xB] =	stream.linear.gather [hbm4b:s1+s4], $0x200, $0x38;
	[tilespmem:$0x12140] =	vst v63  }
0x72: {  	_ =	swait.ge [sflag:s6], $0x200  }
0x73: {  	[sflag:s6] =	ssyncset.done $0x0  }
0x74: {  	[sflag:s6] =	ssyncadd.s32 $0xFFFFFE00  }
0x75: {  	s2 =	rddreg [dreg:$0x1]  }
0x76: {  	[tilespmem:s8], [sflag:$0x1] =	stream.indirect.gather [hbm4b:s2+s7], $0x80, s4, s7, $0xb8;
	[tilespmem:$0x12140] =	vst v63  }
0x77: {  	_ =	swait.ge [sflag:s9], $0x400  }
0x78: {  	[sflag:s9] =	ssyncset.done $0x0  }
0x79: {  	[sflag:s9] =	ssyncadd.s32 $0xFFFFFC00  }
0x7a: {  	[bflag:$0x0] =	sbarrier.arrive $0xFFFF  }
0x7b: {  	[tilespmem:s10], [sflag:$0x2] =	stream.indirect.gather [spmem:s3], $0x80, s7, s7, $0xb8;
	[tilespmem:$0x12140] =	vst v63  }
0x7c: {  	s12 =	rddreg [dreg:$0x10]  }
0x7d: {  	[tilespmem:s11], [sflag:$0x3] =	stream.indirect.gather [spmem:s3], $0x80, s12, s7, $0xb8;
	[tilespmem:$0x12140] =	vst v63  }
0x7e: {  	s2 =	simm.s32 $0xC0  }
0x7f: {  	[tilespmem:s13], [sflag:$0x4] =	stream.indirect.gather [spmem:s3], $0x80, s2, s7, $0xb8;
	[tilespmem:$0x12140] =	vst v63  }
0x80: {  	_ = 	snop  }
0x81: {  	[tilespmem:s15], [sflag:$0x5] =	stream.indirect.gather [spmem:s3], $0x80, s14, s7, $0xb8;
	[tilespmem:$0x12140] =	vst v63  }
0x82: {  	_ = 	snop  }
0x83: {  	[tilespmem:s17], [sflag:$0x6] =	stream.indirect.gather [spmem:s3], $0x80, s16, s7, $0xb8;
	[tilespmem:$0x12140] =	vst v63  }
0x84: {  	_ = 	snop  }
0x85: {  	[tilespmem:s19], [sflag:$0x7] =	stream.indirect.gather [spmem:s3], $0x80, s18, s7, $0xb8;
	[tilespmem:$0x12140] =	vst v63  }
0x86: {  	_ = 	snop  }
0x87: {  	[tilespmem:s21], [sflag:$0x8] =	stream.indirect.gather [spmem:s3], $0x80, s20, s7, $0xb8;
	[tilespmem:$0x12140] =	vst v63  }
0x88: {  	_ =	swait.ge [sflag:s22], $0x2000  }
0x89: {  	[sflag:s22] =	ssyncset.done $0x0  }
0x8a: {  	[sflag:s22] =	ssyncadd.s32 $0xFFFFE000  }
0x8b: {  	[hbm4b:s5+s4] =	stream.linear.scatter [tilespmem:s8], [sflag:$0x9], $0x2000, $0x38;
	[tilespmem:$0x12140] =	vst v63  }
0x8c: {  	_ =	swait.ge [sflag:s23], $0x2000  }
0x8d: {  	[sflag:s23] =	ssyncset.done $0x0  }
0x8e: {  	s12 =	rddreg [dreg:$0x8];
	[sflag:s23] =	ssyncadd.s32 $0xFFFFE000  }
0x8f: {  	[hbm4b:s12+s4] =	stream.linear.scatter [tilespmem:s10], [sflag:$0x9], $0x2000, $0x38;
	[tilespmem:$0x12140] =	vst v63  }
0x90: {  	_ =	swait.ge [sflag:s24], $0x2000  }
0x91: {  	[sflag:s24] =	ssyncset.done $0x0  }
0x92: {  	s2 =	rddreg [dreg:$0x9];
	[sflag:s24] =	ssyncadd.s32 $0xFFFFE000  }
0x93: {  	[hbm4b:s2+s4] =	stream.linear.scatter [tilespmem:s11], [sflag:$0x9], $0x2000, $0x38;
	[tilespmem:$0x12140] =	vst v63  }
0x94: {  	_ =	swait.ge [sflag:s25], $0x2000  }
0x95: {  	[sflag:s25] =	ssyncset.done $0x0  }
0x96: {  	s12 =	rddreg [dreg:$0xa];
	[sflag:s25] =	ssyncadd.s32 $0xFFFFE000  }
0x97: {  	[hbm4b:s12+s4] =	stream.linear.scatter [tilespmem:s13], [sflag:$0x9], $0x2000, $0x38;
	[tilespmem:$0x12140] =	vst v63  }
0x98: {  	_ =	swait.ge [sflag:s26], $0x2000  }
0x99: {  	[sflag:s26] =	ssyncset.done $0x0  }
0x9a: {  	s2 =	rddreg [dreg:$0xb];
	[sflag:s26] =	ssyncadd.s32 $0xFFFFE000  }
0x9b: {  	[hbm4b:s2+s4] =	stream.linear.scatter [tilespmem:s15], [sflag:$0x9], $0x2000, $0x38;
	[tilespmem:$0x12140] =	vst v63  }
0x9c: {  	_ =	swait.ge [sflag:s28], $0x2000  }
0x9d: {  	[sflag:s28] =	ssyncset.done $0x0  }
0x9e: {  	s12 =	rddreg [dreg:$0xc];
	[sflag:s28] =	ssyncadd.s32 $0xFFFFE000  }
0x9f: {  	[hbm4b:s12+s4] =	stream.linear.scatter [tilespmem:s17], [sflag:$0x9], $0x2000, $0x38;
	[tilespmem:$0x12140] =	vst v63  }
0xa0: {  	_ =	swait.ge [sflag:s29], $0x2000  }
0xa1: {  	[sflag:s29] =	ssyncset.done $0x0  }
0xa2: {  	s2 =	rddreg [dreg:$0xd];
	[sflag:s29] =	ssyncadd.s32 $0xFFFFE000  }
0xa3: {  	[hbm4b:s2+s4] =	stream.linear.scatter [tilespmem:s19], [sflag:$0x9], $0x2000, $0x38;
	[tilespmem:$0x12140] =	vst v63  }
0xa4: {  	_ =	swait.ge [sflag:s30], $0x2000  }
0xa5: {  	[sflag:s30] =	ssyncset.done $0x0  }
0xa6: {  	s12 =	rddreg [dreg:$0xe];
	[sflag:s30] =	ssyncadd.s32 $0xFFFFE000  }
0xa7: {  	[hbm4b:s12+s4] =	stream.linear.scatter [tilespmem:s21], [sflag:$0x9], $0x2000, $0x38;
	[tilespmem:$0x12140] =	vst v63  }
0xa8: {  	_ =	swait.ge [sflag:s31], $0x2000  }
0xa9: {  	[sflag:s31] =	ssyncset.done $0x0  }
0xaa: {  	[sflag:s31] =	ssyncadd.s32 $0xFFFFE000  }
0xab: {  	_ =	swait.ge [sflag:s31], $0x2000  }
0xac: {  	[sflag:s31] =	ssyncset.done $0x0  }
0xad: {  	[sflag:s31] =	ssyncadd.s32 $0xFFFFE000  }
0xae: {  	_ =	swait.ge [sflag:s31], $0x2000  }
0xaf: {  	[sflag:s31] =	ssyncset.done $0x0  }
0xb0: {  	[sflag:s31] =	ssyncadd.s32 $0xFFFFE000  }
0xb1: {  	_ =	swait.ge [sflag:s31], $0x2000  }
0xb2: {  	[sflag:s31] =	ssyncset.done $0x0  }
0xb3: {  	[sflag:s31] =	ssyncadd.s32 $0xFFFFE000  }
0xb4: {  	_ =	swait.ge [sflag:s31], $0x2000  }
0xb5: {  	[sflag:s31] =	ssyncset.done $0x0  }
0xb6: {  	[sflag:s31] =	ssyncadd.s32 $0xFFFFE000  }
0xb7: {  	_ =	swait.ge [sflag:s31], $0x2000  }
0xb8: {  	p0 =	sne.s32 s0, $0x1;
	[sflag:s31] =	ssyncset.done $0x0  }
.Ltmp1:
0xb9: {  	[sflag:s31] =	ssyncadd.s32 $0xFFFFE000;
	(pc) =	sbr.rel @p0 .LBB2_1-.Ltmp1, $4  }
0xba: {  	_ =	swait.ge [sflag:s31], $0x2000  }
0xbb: {  	[sflag:s31] =	ssyncset.done $0x0  }
0xbc: {  	[sflag:s31] =	ssyncadd.s32 $0xFFFFE000  }
0xbd: {  	s0 =	sadd.s32 $0xFFFFFFFF, s0;
	_ =	swait.ge [sflag:s31], $0x2000  }
.LBB2_2:
0xbe: {  	[sflag:s31] =	ssyncset.done $0x0  }
0xbf: {  	[sflag:s31] =	ssyncadd.s32 $0xFFFFE000  }
0xc0: {  	_ =	sfence.sel $0x180000  }
0xc1: {  	[bflag:$0x0] =	sbarrier.arrive $0xFFFF  }
0xc2: {  	_ =	strace $0x90000047  }
0xc3: {  	s0 =	stileid.u32;
	[bflag:$0x2] =	sbarrier.arrive $0xFFFF  }
0xc4: {  	p0 =	sne.s32 s0, $0x0;
	s0 =	rddreg [dreg:$0x4]  }
0xc5: {  	s0 =	sadd.s32 @!p0 $0x100000, s0  }
0xc6: {  	[sflag:s0] =	ssyncadd.tile.s32 @!p0 $0x1;
	_ =	shalt  }
.Lfunc_end2:
_tile_overlayer_lowered:
.L_overlay_start_2:
0xc7: {  	(tag) =	ssettag $0x2  }
0xc8: {  	s0 =	rddreg [dreg:$0x0];
	s2 =	stileid.u32  }
0xc9: {  	s1 =	rddreg [dreg:$0x1];
	p0 =	sne.s32 s2, $0x0  }
0xca: {  	s3 =	rddreg [dreg:$0x2];
	[bflag:$0x3] =	sbarrier.arrive $0xFFFF;
	s2 =	simm.s32 @!p0 $0x1C0B  }
0xcb: {  	[timem:s3], [sflag:s2] =	dma.local @!p0 [hbm:s0], s1  }
0xcc: {  	s0 =	simm.s32 @!p0 $0xB  }
0xcd: {  	_ =	swait.ge @!p0 [sflag:s0], s1  }
0xce: {  	s1 =	ssub.s32 @!p0 $0x0, s1;
	[sflag:s0] =	ssyncset.done @!p0 $0x0  }
0xcf: {  	[sflag:s0] =	ssyncadd.s32 @!p0 s1  }
0xd0: {  	[bflag:$0x3] =	sbarrier.arrive $0xFFFF  }
0xd1: {  	_ =	shalt  }

</sc_bundles>
